<compile_context>
chip_gen: v7x
topology: tpu7x:2x2x1
jax: 0.10.2.dev20260603
libtpu: 0.0.44.dev20260713+nightly
codegen_flags: <defaults>
</compile_context>

<pallas_src>
import functools

import jax
import jax.numpy as jnp
from jax import lax
from jax.experimental import pallas as pl
from jax.experimental.pallas import tpu as pltpu
from jax.experimental.pallas import tpu_sc as plsc

Q = 1024
M = 16384
D = 1024
K = 4
BM = 2048
NM = M // BM

_NEG = float("-inf")
_BIG = float("inf")


def _extract4(v, gi):
    vals, idxs = [], []
    for _ in range(K):
        m = jnp.max(v, axis=1, keepdims=True)
        cand = jnp.where(v == m, gi, _BIG)
        j = jnp.min(cand, axis=1, keepdims=True)
        vals.append(m)
        idxs.append(j)
        v = jnp.where(gi == j, _NEG, v)
    return jnp.concatenate(vals, axis=1), jnp.concatenate(idxs, axis=1)


def _topk_body(q_ref, mb_ref, qn_ref, mn_ref, out_ref, rv_ref, ri_ref):
    step = pl.program_id(0)

    @pl.when(step == 0)
    def _init():
        rv_ref[...] = jnp.full((Q, K), _NEG, jnp.float32)
        ri_ref[...] = jnp.full((Q, K), -1.0, jnp.float32)

    dot = lax.dot_general(
        q_ref[...], mb_ref[...],
        (((1,), (1,)), ((), ())),
        preferred_element_type=jnp.float32,
    )
    qn = qn_ref[...]
    mn = mn_ref[...]
    qn2 = qn * qn
    mn2 = mn * mn
    sq = (qn2 + mn2) - dot * 2.0
    c = jnp.maximum(0.0, sq)
    dotprod = ((-c) + qn2 + mn2) * 0.5
    r = pl.reciprocal(qn * mn, approx=True, full_range=False)
    neg = dotprod * r - 1.0

    col = (lax.broadcasted_iota(jnp.int32, (Q, BM), 1).astype(jnp.float32)
           + (step * BM).astype(jnp.float32))
    bv, bi = _extract4(neg, col)

    mv = jnp.concatenate([rv_ref[...], bv], axis=1)
    mi = jnp.concatenate([ri_ref[...], bi], axis=1)
    nv, ni = _extract4(mv, mi)
    rv_ref[...] = nv
    ri_ref[...] = ni

    @pl.when(step == NM - 1)
    def _done():
        out_ref[...] = ni.astype(jnp.int32)


def _topk_indices(query_seq, matching_set, qn, mn):
    return pl.pallas_call(
        _topk_body,
        grid=(NM,),
        in_specs=[
            pl.BlockSpec((Q, D), lambda i: (0, 0)),
            pl.BlockSpec((BM, D), lambda i: (i, 0)),
            pl.BlockSpec((Q, 1), lambda i: (0, 0)),
            pl.BlockSpec((1, BM), lambda i: (0, i)),
        ],
        out_specs=pl.BlockSpec((Q, K), lambda i: (0, 0)),
        out_shape=jax.ShapeDtypeStruct((Q, K), jnp.int32),
        scratch_shapes=[
            pltpu.VMEM((Q, K), jnp.float32),
            pltpu.VMEM((Q, K), jnp.float32),
        ],
        compiler_params=pltpu.CompilerParams(
            dimension_semantics=("arbitrary",),
        ),
    )(query_seq, matching_set, qn, mn)


_NC = 2
_NS = 16
_NW = _NC * _NS
_QPW = Q // _NW
_QPI = 8
_NIT = _QPW // _QPI


def _gather_mean(matching_set, idx_flat):
    mesh = plsc.VectorSubcoreMesh(core_axis_name="c", subcore_axis_name="s")

    @functools.partial(
        pl.kernel,
        mesh=mesh,
        out_type=jax.ShapeDtypeStruct((Q, D), jnp.float32),
        scratch_types=[
            pltpu.VMEM((_QPI * K,), jnp.int32),
            pltpu.VMEM((_QPI * K, D), jnp.float32),
            pltpu.VMEM((_QPI, D), jnp.float32),
            pltpu.SemaphoreType.DMA,
        ],
    )
    def k(mset_hbm, idx_hbm, out_hbm, idx_v, rows_v, acc_v, sem):
        wid = lax.axis_index("s") * _NC + lax.axis_index("c")

        def body(i, carry):
            q0 = wid * _QPW + i * _QPI
            pltpu.sync_copy(idx_hbm.at[pl.ds(q0 * K, _QPI * K)], idx_v)
            pltpu.async_copy(mset_hbm.at[idx_v], rows_v, sem).wait()

            def chunk(c, carry2):
                for r in range(_QPI):
                    sl = pl.ds(c * 16, 16)
                    a = rows_v[K * r + 0, sl] + rows_v[K * r + 1, sl]
                    a = a + rows_v[K * r + 2, sl]
                    a = a + rows_v[K * r + 3, sl]
                    acc_v[r, sl] = a / 4.0
                return carry2

            lax.fori_loop(0, D // 16, chunk, 0)
            pltpu.sync_copy(acc_v, out_hbm.at[pl.ds(q0, _QPI)])
            return carry

        lax.fori_loop(0, _NIT, body, 0)

    return k(matching_set, idx_flat)


def kernel(query_seq, matching_set, topk):
    del topk
    qn = jnp.linalg.norm(query_seq, axis=-1)
    mn = jnp.linalg.norm(matching_set, axis=-1)
    idx = _topk_indices(
        query_seq, matching_set,
        qn.reshape(Q, 1), mn.reshape(1, M),
    )
    out = _gather_mean(matching_set, idx.reshape(Q * K))
    return out

# --- scband reference (transcript-rebuilt; emitter-appended) ---
"""Pipeline reference for scband-kneighbors-vc-9895604650416 (READ-ONLY COPY).

The authoritative reference and input builder live on the scoring server;
editing this copy changes nothing except your own understanding.
"""

import jax, jax.numpy as jnp
import numpy as np


def fast_cosine_dist(source_feats, matching_pool):
    # Like torch.cdist but fixed dim=-1 and cosine distance, matching the torch reference.
    source_norms = jnp.linalg.norm(source_feats, axis=-1)
    matching_norms = jnp.linalg.norm(matching_pool, axis=-1)
    sq = (source_norms[:, None] ** 2 + matching_norms[None, :] ** 2
          - 2.0 * (source_feats @ matching_pool.T))
    cdist = jnp.sqrt(jnp.clip(sq, 0.0, None))
    dotprod = (-(cdist ** 2) + source_norms[:, None] ** 2 + matching_norms[None, :] ** 2) / 2.0
    dists = 1.0 - dotprod / (source_norms[:, None] * matching_norms[None, :])
    return dists


def setup_inputs(seed: int = 0) -> dict:
    key = jax.random.key(seed)
    k1, k2 = jax.random.split(key)
    query_seq = jax.random.normal(k1, (1024, 1024), dtype=jnp.float32)
    matching_set = jax.random.normal(k2, (16384, 1024), dtype=jnp.float32)
    return {"query_seq": query_seq, "matching_set": matching_set, "topk": 4}


def reference(query_seq, matching_set, topk):
    # kNN-VC match step: cosine dists -> k smallest -> mean of matched features.
    dists = fast_cosine_dist(query_seq, matching_set)  # [Q, K]
    neg_vals, idx = jax.lax.top_k(-dists, 4)           # k smallest distances
    neighbors = jnp.take(matching_set, idx, axis=0)    # [Q, topk, d] gather
    out_feats = neighbors.sum(axis=1) / topk           # [Q, d]
    return out_feats

if __name__ == "__main__":
    import jax
    _d = setup_inputs()
    print(jax.jit(kernel)(*tuple(_d.values())))

</pallas_src>

<mosaic_0001>
#map = affine_map<(d0, d1) -> (0, 0)>
#map1 = affine_map<(d0, d1) -> (0)>
module attributes {stable_mosaic.version = 14 : i64} {
  func.func @k(%arg0: i32, %arg1: i32, %arg2: memref<16384x1024xf32, #tpu.memory_space<hbm>>, %arg3: memref<4096xi32, #tpu.memory_space<hbm>>, %arg4: memref<1024x1024xf32, #tpu.memory_space<hbm>>, %arg5: memref<32xi32, #tpu.memory_space<vmem>>, %arg6: memref<32x1024xf32, #tpu.memory_space<vmem>>, %arg7: memref<8x1024xf32, #tpu.memory_space<vmem>>, %arg8: memref<!tpu.dma_semaphore, #tpu.memory_space<semaphore_mem>>) attributes {dimension_semantics = [#tpu.dimension_semantics<core_parallel>, #tpu.dimension_semantics<subcore_parallel>], iteration_bounds = array<i64: 2, 16>, scalar_prefetch = 0 : i64, scratch_operands = 4 : i64, tpu.core_type = #tpu.core_type<sc_vector_subcore>, window_params = [{transform_indices = #map}, {transform_indices = #map1}, {transform_indices = #map}]} {
    %mul3A = arith.constant 2 : i32
    %mul3A_0 = arith.muli %arg1, %mul3A : i32
    %add3A = arith.addi %mul3A_0, %arg0 : i32
    %scan3A = arith.constant 0 : i32
    %scan3A_1 = arith.constant 0 : i32
    %scan3A_2 = arith.constant 4 : i32
    %scan3A_3 = arith.addi %scan3A_1, %scan3A_2 : i32
    %scan3A_4 = arith.constant 1 : i32
    scf.for %scan3A_6 = %scan3A_1 to %scan3A_3 step %scan3A_4  : i32 {
      %mul3A_7 = arith.constant 32 : i32
      %mul3A_8 = arith.muli %add3A, %mul3A_7 : i32
      %mul3A_9 = arith.constant 8 : i32
      %mul3A_10 = arith.muli %scan3A_6, %mul3A_9 : i32
      %add3A_11 = arith.addi %mul3A_8, %mul3A_10 : i32
      %mul3A_12 = arith.constant 4 : i32
      %mul3A_13 = arith.muli %add3A_11, %mul3A_12 : i32
      "tpu.region"() ({
        %run_scoped3A = tpu.sem_alloc : memref<!tpu.dma_semaphore, #tpu.memory_space<semaphore_mem>>
        %dma_start3A_24 = tpu.memref_slice %arg3[%mul3A_13] : memref<4096xi32, #tpu.memory_space<hbm>> -> memref<32xi32, #tpu.memory_space<hbm>>
        %dma_start3A_25 = tpu.memref_slice %arg3[%mul3A_13] : memref<4096xi32, #tpu.memory_space<hbm>> -> memref<32xi32, #tpu.memory_space<hbm>>
        tpu.enqueue_dma source(%dma_start3A_25 : memref<32xi32, #tpu.memory_space<hbm>>) target(%arg5 : memref<32xi32, #tpu.memory_space<vmem>>) target_semaphore(%run_scoped3A : memref<!tpu.dma_semaphore, #tpu.memory_space<semaphore_mem>>)
        %dma_wait3A_26 = tpu.memref_slice %arg3[%mul3A_13] : memref<4096xi32, #tpu.memory_space<hbm>> -> memref<32xi32, #tpu.memory_space<hbm>>
        %dma_wait3A_27 = tpu.memref_slice %arg3[%mul3A_13] : memref<4096xi32, #tpu.memory_space<hbm>> -> memref<32xi32, #tpu.memory_space<hbm>>
        tpu.wait_dma2 semaphore(%run_scoped3A : memref<!tpu.dma_semaphore, #tpu.memory_space<semaphore_mem>>) src(%dma_wait3A_27 : memref<32xi32, #tpu.memory_space<hbm>>) dst(%arg5 : memref<32xi32, #tpu.memory_space<vmem>>)
        tpu.yield
      }) : () -> ()
      %dma_start3A = arith.constant 0 : i32
      %dma_start3A_14 = arith.constant 0 : i32
      %dma_start3A_15 = tpu.memref_slice %arg2[%dma_start3A, %dma_start3A_14] : memref<16384x1024xf32, #tpu.memory_space<hbm>> -> memref<16384x1024xf32, #tpu.memory_space<hbm>>
      tpu.enqueue_indirect_dma source(%dma_start3A_15 : memref<16384x1024xf32, #tpu.memory_space<hbm>>) target(%arg6 : memref<32x1024xf32, #tpu.memory_space<vmem>>) offsets(%arg5 : memref<32xi32, #tpu.memory_space<vmem>>) semaphore(%arg8 : memref<!tpu.dma_semaphore, #tpu.memory_space<semaphore_mem>>)
      %dma_wait3A = arith.constant 0 : i32
      %dma_wait3A_16 = arith.constant 0 : i32
      %dma_wait3A_17 = tpu.memref_slice %arg2[%dma_wait3A, %dma_wait3A_16] : memref<16384x1024xf32, #tpu.memory_space<hbm>> -> memref<16384x1024xf32, #tpu.memory_space<hbm>>
      tpu.wait_indirect_dma semaphore(%arg8 : memref<!tpu.dma_semaphore, #tpu.memory_space<semaphore_mem>>) src(%dma_wait3A_17 : memref<16384x1024xf32, #tpu.memory_space<hbm>>) dst(%arg6 : memref<32x1024xf32, #tpu.memory_space<vmem>>)
      %scan3A_18 = arith.constant 0 : i32
      %scan3A_19 = arith.constant 0 : i32
      %scan3A_20 = arith.constant 64 : i32
      %scan3A_21 = arith.addi %scan3A_19, %scan3A_20 : i32
      %scan3A_22 = arith.constant 1 : i32
      scf.for %scan3A_24 = %scan3A_19 to %scan3A_21 step %scan3A_22  : i32 {
        %mul3A_25 = arith.constant 16 : i32
        %mul3A_26 = arith.muli %scan3A_24, %mul3A_25 : i32
        %get3A = arith.constant 0 : i32
        %get3A_27 = arith.index_cast %get3A : i32 to index
        %get3A_28 = arith.index_cast %mul3A_26 : i32 to index
        %get3A_29 = tpu.vector_load %arg6[%get3A_27, %get3A_28] {strides = array<i32>} : memref<32x1024xf32, #tpu.memory_space<vmem>>, vector<1x16xf32>,
        %get3A_30 = vector.shape_cast %get3A_29 : vector<1x16xf32> to vector<16xf32>
        %get3A_31 = arith.constant 1 : i32
        %get3A_32 = arith.index_cast %get3A_31 : i32 to index
        %get3A_33 = arith.index_cast %mul3A_26 : i32 to index
        %get3A_34 = tpu.vector_load %arg6[%get3A_32, %get3A_33] {strides = array<i32>} : memref<32x1024xf32, #tpu.memory_space<vmem>>, vector<1x16xf32>,
        %get3A_35 = vector.shape_cast %get3A_34 : vector<1x16xf32> to vector<16xf32>
        %add3A_36 = arith.addf %get3A_30, %get3A_35 : vector<16xf32>
        %get3A_37 = arith.constant 2 : i32
        %get3A_38 = arith.index_cast %get3A_37 : i32 to index
        %get3A_39 = arith.index_cast %mul3A_26 : i32 to index
        %get3A_40 = tpu.vector_load %arg6[%get3A_38, %get3A_39] {strides = array<i32>} : memref<32x1024xf32, #tpu.memory_space<vmem>>, vector<1x16xf32>,
        %get3A_41 = vector.shape_cast %get3A_40 : vector<1x16xf32> to vector<16xf32>
        %add3A_42 = arith.addf %add3A_36, %get3A_41 : vector<16xf32>
        %get3A_43 = arith.constant 3 : i32
        %get3A_44 = arith.index_cast %get3A_43 : i32 to index
        %get3A_45 = arith.index_cast %mul3A_26 : i32 to index
        %get3A_46 = tpu.vector_load %arg6[%get3A_44, %get3A_45] {strides = array<i32>} : memref<32x1024xf32, #tpu.memory_space<vmem>>, vector<1x16xf32>,
        %get3A_47 = vector.shape_cast %get3A_46 : vector<1x16xf32> to vector<16xf32>
        %add3A_48 = arith.addf %add3A_42, %get3A_47 : vector<16xf32>
        %div3A = arith.constant 4.000000e+00 : f32
        %div3A_49 = vector.broadcast %div3A : f32 to vector<16xf32>
        %div3A_50 = arith.divf %add3A_48, %div3A_49 : vector<16xf32>
        %swap3A = arith.constant 0 : i32
        %swap3A_51 = arith.index_cast %swap3A : i32 to index
        %swap3A_52 = arith.index_cast %mul3A_26 : i32 to index
        %swap3A_53 = tpu.vector_load %arg7[%swap3A_51, %swap3A_52] {strides = array<i32>} : memref<8x1024xf32, #tpu.memory_space<vmem>>, vector<1x16xf32>,
        %swap3A_54 = vector.shape_cast %swap3A_53 : vector<1x16xf32> to vector<16xf32>
        %swap3A_55 = vector.shape_cast %div3A_50 : vector<16xf32> to vector<1x16xf32>
        tpu.vector_store %arg7[%swap3A_51, %swap3A_52], %swap3A_55 {strides = array<i32>} : memref<8x1024xf32, #tpu.memory_space<vmem>>, vector<1x16xf32>,
        %mul3A_56 = arith.constant 16 : i32
        %mul3A_57 = arith.muli %scan3A_24, %mul3A_56 : i32
        %get3A_58 = arith.constant 4 : i32
        %get3A_59 = arith.index_cast %get3A_58 : i32 to index
        %get3A_60 = arith.index_cast %mul3A_57 : i32 to index
        %get3A_61 = tpu.vector_load %arg6[%get3A_59, %get3A_60] {strides = array<i32>} : memref<32x1024xf32, #tpu.memory_space<vmem>>, vector<1x16xf32>,
        %get3A_62 = vector.shape_cast %get3A_61 : vector<1x16xf32> to vector<16xf32>
        %get3A_63 = arith.constant 5 : i32
        %get3A_64 = arith.index_cast %get3A_63 : i32 to index
        %get3A_65 = arith.index_cast %mul3A_57 : i32 to index
        %get3A_66 = tpu.vector_load %arg6[%get3A_64, %get3A_65] {strides = array<i32>} : memref<32x1024xf32, #tpu.memory_space<vmem>>, vector<1x16xf32>,
        %get3A_67 = vector.shape_cast %get3A_66 : vector<1x16xf32> to vector<16xf32>
        %add3A_68 = arith.addf %get3A_62, %get3A_67 : vector<16xf32>
        %get3A_69 = arith.constant 6 : i32
        %get3A_70 = arith.index_cast %get3A_69 : i32 to index
        %get3A_71 = arith.index_cast %mul3A_57 : i32 to index
        %get3A_72 = tpu.vector_load %arg6[%get3A_70, %get3A_71] {strides = array<i32>} : memref<32x1024xf32, #tpu.memory_space<vmem>>, vector<1x16xf32>,
        %get3A_73 = vector.shape_cast %get3A_72 : vector<1x16xf32> to vector<16xf32>
        %add3A_74 = arith.addf %add3A_68, %get3A_73 : vector<16xf32>
        %get3A_75 = arith.constant 7 : i32
        %get3A_76 = arith.index_cast %get3A_75 : i32 to index
        %get3A_77 = arith.index_cast %mul3A_57 : i32 to index
        %get3A_78 = tpu.vector_load %arg6[%get3A_76, %get3A_77] {strides = array<i32>} : memref<32x1024xf32, #tpu.memory_space<vmem>>, vector<1x16xf32>,
        %get3A_79 = vector.shape_cast %get3A_78 : vector<1x16xf32> to vector<16xf32>
        %add3A_80 = arith.addf %add3A_74, %get3A_79 : vector<16xf32>
        %div3A_81 = arith.constant 4.000000e+00 : f32
        %div3A_82 = vector.broadcast %div3A_81 : f32 to vector<16xf32>
        %div3A_83 = arith.divf %add3A_80, %div3A_82 : vector<16xf32>
        %swap3A_84 = arith.constant 1 : i32
        %swap3A_85 = arith.index_cast %swap3A_84 : i32 to index
        %swap3A_86 = arith.index_cast %mul3A_57 : i32 to index
        %swap3A_87 = tpu.vector_load %arg7[%swap3A_85, %swap3A_86] {strides = array<i32>} : memref<8x1024xf32, #tpu.memory_space<vmem>>, vector<1x16xf32>,
        %swap3A_88 = vector.shape_cast %swap3A_87 : vector<1x16xf32> to vector<16xf32>
        %swap3A_89 = vector.shape_cast %div3A_83 : vector<16xf32> to vector<1x16xf32>
        tpu.vector_store %arg7[%swap3A_85, %swap3A_86], %swap3A_89 {strides = array<i32>} : memref<8x1024xf32, #tpu.memory_space<vmem>>, vector<1x16xf32>,
        %mul3A_90 = arith.constant 16 : i32
        %mul3A_91 = arith.muli %scan3A_24, %mul3A_90 : i32
        %get3A_92 = arith.constant 8 : i32
        %get3A_93 = arith.index_cast %get3A_92 : i32 to index
        %get3A_94 = arith.index_cast %mul3A_91 : i32 to index
        %get3A_95 = tpu.vector_load %arg6[%get3A_93, %get3A_94] {strides = array<i32>} : memref<32x1024xf32, #tpu.memory_space<vmem>>, vector<1x16xf32>,
        %get3A_96 = vector.shape_cast %get3A_95 : vector<1x16xf32> to vector<16xf32>
        %get3A_97 = arith.constant 9 : i32
        %get3A_98 = arith.index_cast %get3A_97 : i32 to index
        %get3A_99 = arith.index_cast %mul3A_91 : i32 to index
        %get3A_100 = tpu.vector_load %arg6[%get3A_98, %get3A_99] {strides = array<i32>} : memref<32x1024xf32, #tpu.memory_space<vmem>>, vector<1x16xf32>,
        %get3A_101 = vector.shape_cast %get3A_100 : vector<1x16xf32> to vector<16xf32>
        %add3A_102 = arith.addf %get3A_96, %get3A_101 : vector<16xf32>
        %get3A_103 = arith.constant 10 : i32
        %get3A_104 = arith.index_cast %get3A_103 : i32 to index
        %get3A_105 = arith.index_cast %mul3A_91 : i32 to index
        %get3A_106 = tpu.vector_load %arg6[%get3A_104, %get3A_105] {strides = array<i32>} : memref<32x1024xf32, #tpu.memory_space<vmem>>, vector<1x16xf32>,
        %get3A_107 = vector.shape_cast %get3A_106 : vector<1x16xf32> to vector<16xf32>
        %add3A_108 = arith.addf %add3A_102, %get3A_107 : vector<16xf32>
        %get3A_109 = arith.constant 11 : i32
        %get3A_110 = arith.index_cast %get3A_109 : i32 to index
        %get3A_111 = arith.index_cast %mul3A_91 : i32 to index
        %get3A_112 = tpu.vector_load %arg6[%get3A_110, %get3A_111] {strides = array<i32>} : memref<32x1024xf32, #tpu.memory_space<vmem>>, vector<1x16xf32>,
        %get3A_113 = vector.shape_cast %get3A_112 : vector<1x16xf32> to vector<16xf32>
        %add3A_114 = arith.addf %add3A_108, %get3A_113 : vector<16xf32>
        %div3A_115 = arith.constant 4.000000e+00 : f32
        %div3A_116 = vector.broadcast %div3A_115 : f32 to vector<16xf32>
        %div3A_117 = arith.divf %add3A_114, %div3A_116 : vector<16xf32>
        %swap3A_118 = arith.constant 2 : i32
        %swap3A_119 = arith.index_cast %swap3A_118 : i32 to index
        %swap3A_120 = arith.index_cast %mul3A_91 : i32 to index
        %swap3A_121 = tpu.vector_load %arg7[%swap3A_119, %swap3A_120] {strides = array<i32>} : memref<8x1024xf32, #tpu.memory_space<vmem>>, vector<1x16xf32>,
        %swap3A_122 = vector.shape_cast %swap3A_121 : vector<1x16xf32> to vector<16xf32>
        %swap3A_123 = vector.shape_cast %div3A_117 : vector<16xf32> to vector<1x16xf32>
        tpu.vector_store %arg7[%swap3A_119, %swap3A_120], %swap3A_123 {strides = array<i32>} : memref<8x1024xf32, #tpu.memory_space<vmem>>, vector<1x16xf32>,
        %mul3A_124 = arith.constant 16 : i32
        %mul3A_125 = arith.muli %scan3A_24, %mul3A_124 : i32
        %get3A_126 = arith.constant 12 : i32
        %get3A_127 = arith.index_cast %get3A_126 : i32 to index
        %get3A_128 = arith.index_cast %mul3A_125 : i32 to index
        %get3A_129 = tpu.vector_load %arg6[%get3A_127, %get3A_128] {strides = array<i32>} : memref<32x1024xf32, #tpu.memory_space<vmem>>, vector<1x16xf32>,
        %get3A_130 = vector.shape_cast %get3A_129 : vector<1x16xf32> to vector<16xf32>
        %get3A_131 = arith.constant 13 : i32
        %get3A_132 = arith.index_cast %get3A_131 : i32 to index
        %get3A_133 = arith.index_cast %mul3A_125 : i32 to index
        %get3A_134 = tpu.vector_load %arg6[%get3A_132, %get3A_133] {strides = array<i32>} : memref<32x1024xf32, #tpu.memory_space<vmem>>, vector<1x16xf32>,
        %get3A_135 = vector.shape_cast %get3A_134 : vector<1x16xf32> to vector<16xf32>
        %add3A_136 = arith.addf %get3A_130, %get3A_135 : vector<16xf32>
        %get3A_137 = arith.constant 14 : i32
        %get3A_138 = arith.index_cast %get3A_137 : i32 to index
        %get3A_139 = arith.index_cast %mul3A_125 : i32 to index
        %get3A_140 = tpu.vector_load %arg6[%get3A_138, %get3A_139] {strides = array<i32>} : memref<32x1024xf32, #tpu.memory_space<vmem>>, vector<1x16xf32>,
        %get3A_141 = vector.shape_cast %get3A_140 : vector<1x16xf32> to vector<16xf32>
        %add3A_142 = arith.addf %add3A_136, %get3A_141 : vector<16xf32>
        %get3A_143 = arith.constant 15 : i32
        %get3A_144 = arith.index_cast %get3A_143 : i32 to index
        %get3A_145 = arith.index_cast %mul3A_125 : i32 to index
        %get3A_146 = tpu.vector_load %arg6[%get3A_144, %get3A_145] {strides = array<i32>} : memref<32x1024xf32, #tpu.memory_space<vmem>>, vector<1x16xf32>,
        %get3A_147 = vector.shape_cast %get3A_146 : vector<1x16xf32> to vector<16xf32>
        %add3A_148 = arith.addf %add3A_142, %get3A_147 : vector<16xf32>
        %div3A_149 = arith.constant 4.000000e+00 : f32
        %div3A_150 = vector.broadcast %div3A_149 : f32 to vector<16xf32>
        %div3A_151 = arith.divf %add3A_148, %div3A_150 : vector<16xf32>
        %swap3A_152 = arith.constant 3 : i32
        %swap3A_153 = arith.index_cast %swap3A_152 : i32 to index
        %swap3A_154 = arith.index_cast %mul3A_125 : i32 to index
        %swap3A_155 = tpu.vector_load %arg7[%swap3A_153, %swap3A_154] {strides = array<i32>} : memref<8x1024xf32, #tpu.memory_space<vmem>>, vector<1x16xf32>,
        %swap3A_156 = vector.shape_cast %swap3A_155 : vector<1x16xf32> to vector<16xf32>
        %swap3A_157 = vector.shape_cast %div3A_151 : vector<16xf32> to vector<1x16xf32>
        tpu.vector_store %arg7[%swap3A_153, %swap3A_154], %swap3A_157 {strides = array<i32>} : memref<8x1024xf32, #tpu.memory_space<vmem>>, vector<1x16xf32>,
        %mul3A_158 = arith.constant 16 : i32
        %mul3A_159 = arith.muli %scan3A_24, %mul3A_158 : i32
        %get3A_160 = arith.constant 16 : i32
        %get3A_161 = arith.index_cast %get3A_160 : i32 to index
        %get3A_162 = arith.index_cast %mul3A_159 : i32 to index
        %get3A_163 = tpu.vector_load %arg6[%get3A_161, %get3A_162] {strides = array<i32>} : memref<32x1024xf32, #tpu.memory_space<vmem>>, vector<1x16xf32>,
        %get3A_164 = vector.shape_cast %get3A_163 : vector<1x16xf32> to vector<16xf32>
        %get3A_165 = arith.constant 17 : i32
        %get3A_166 = arith.index_cast %get3A_165 : i32 to index
        %get3A_167 = arith.index_cast %mul3A_159 : i32 to index
        %get3A_168 = tpu.vector_load %arg6[%get3A_166, %get3A_167] {strides = array<i32>} : memref<32x1024xf32, #tpu.memory_space<vmem>>, vector<1x16xf32>,
        %get3A_169 = vector.shape_cast %get3A_168 : vector<1x16xf32> to vector<16xf32>
        %add3A_170 = arith.addf %get3A_164, %get3A_169 : vector<16xf32>
        %get3A_171 = arith.constant 18 : i32
        %get3A_172 = arith.index_cast %get3A_171 : i32 to index
        %get3A_173 = arith.index_cast %mul3A_159 : i32 to index
        %get3A_174 = tpu.vector_load %arg6[%get3A_172, %get3A_173] {strides = array<i32>} : memref<32x1024xf32, #tpu.memory_space<vmem>>, vector<1x16xf32>,
        %get3A_175 = vector.shape_cast %get3A_174 : vector<1x16xf32> to vector<16xf32>
        %add3A_176 = arith.addf %add3A_170, %get3A_175 : vector<16xf32>
        %get3A_177 = arith.constant 19 : i32
        %get3A_178 = arith.index_cast %get3A_177 : i32 to index
        %get3A_179 = arith.index_cast %mul3A_159 : i32 to index
        %get3A_180 = tpu.vector_load %arg6[%get3A_178, %get3A_179] {strides = array<i32>} : memref<32x1024xf32, #tpu.memory_space<vmem>>, vector<1x16xf32>,
        %get3A_181 = vector.shape_cast %get3A_180 : vector<1x16xf32> to vector<16xf32>
        %add3A_182 = arith.addf %add3A_176, %get3A_181 : vector<16xf32>
        %div3A_183 = arith.constant 4.000000e+00 : f32
        %div3A_184 = vector.broadcast %div3A_183 : f32 to vector<16xf32>
        %div3A_185 = arith.divf %add3A_182, %div3A_184 : vector<16xf32>
        %swap3A_186 = arith.constant 4 : i32
        %swap3A_187 = arith.index_cast %swap3A_186 : i32 to index
        %swap3A_188 = arith.index_cast %mul3A_159 : i32 to index
        %swap3A_189 = tpu.vector_load %arg7[%swap3A_187, %swap3A_188] {strides = array<i32>} : memref<8x1024xf32, #tpu.memory_space<vmem>>, vector<1x16xf32>,
        %swap3A_190 = vector.shape_cast %swap3A_189 : vector<1x16xf32> to vector<16xf32>
        %swap3A_191 = vector.shape_cast %div3A_185 : vector<16xf32> to vector<1x16xf32>
        tpu.vector_store %arg7[%swap3A_187, %swap3A_188], %swap3A_191 {strides = array<i32>} : memref<8x1024xf32, #tpu.memory_space<vmem>>, vector<1x16xf32>,
        %mul3A_192 = arith.constant 16 : i32
        %mul3A_193 = arith.muli %scan3A_24, %mul3A_192 : i32
        %get3A_194 = arith.constant 20 : i32
        %get3A_195 = arith.index_cast %get3A_194 : i32 to index
        %get3A_196 = arith.index_cast %mul3A_193 : i32 to index
        %get3A_197 = tpu.vector_load %arg6[%get3A_195, %get3A_196] {strides = array<i32>} : memref<32x1024xf32, #tpu.memory_space<vmem>>, vector<1x16xf32>,
        %get3A_198 = vector.shape_cast %get3A_197 : vector<1x16xf32> to vector<16xf32>
        %get3A_199 = arith.constant 21 : i32
        %get3A_200 = arith.index_cast %get3A_199 : i32 to index
        %get3A_201 = arith.index_cast %mul3A_193 : i32 to index
        %get3A_202 = tpu.vector_load %arg6[%get3A_200, %get3A_201] {strides = array<i32>} : memref<32x1024xf32, #tpu.memory_space<vmem>>, vector<1x16xf32>,
        %get3A_203 = vector.shape_cast %get3A_202 : vector<1x16xf32> to vector<16xf32>
        %add3A_204 = arith.addf %get3A_198, %get3A_203 : vector<16xf32>
        %get3A_205 = arith.constant 22 : i32
        %get3A_206 = arith.index_cast %get3A_205 : i32 to index
        %get3A_207 = arith.index_cast %mul3A_193 : i32 to index
        %get3A_208 = tpu.vector_load %arg6[%get3A_206, %get3A_207] {strides = array<i32>} : memref<32x1024xf32, #tpu.memory_space<vmem>>, vector<1x16xf32>,
        %get3A_209 = vector.shape_cast %get3A_208 : vector<1x16xf32> to vector<16xf32>
        %add3A_210 = arith.addf %add3A_204, %get3A_209 : vector<16xf32>
        %get3A_211 = arith.constant 23 : i32
        %get3A_212 = arith.index_cast %get3A_211 : i32 to index
        %get3A_213 = arith.index_cast %mul3A_193 : i32 to index
        %get3A_214 = tpu.vector_load %arg6[%get3A_212, %get3A_213] {strides = array<i32>} : memref<32x1024xf32, #tpu.memory_space<vmem>>, vector<1x16xf32>,
        %get3A_215 = vector.shape_cast %get3A_214 : vector<1x16xf32> to vector<16xf32>
        %add3A_216 = arith.addf %add3A_210, %get3A_215 : vector<16xf32>
        %div3A_217 = arith.constant 4.000000e+00 : f32
        %div3A_218 = vector.broadcast %div3A_217 : f32 to vector<16xf32>
        %div3A_219 = arith.divf %add3A_216, %div3A_218 : vector<16xf32>
        %swap3A_220 = arith.constant 5 : i32
        %swap3A_221 = arith.index_cast %swap3A_220 : i32 to index
        %swap3A_222 = arith.index_cast %mul3A_193 : i32 to index
        %swap3A_223 = tpu.vector_load %arg7[%swap3A_221, %swap3A_222] {strides = array<i32>} : memref<8x1024xf32, #tpu.memory_space<vmem>>, vector<1x16xf32>,
        %swap3A_224 = vector.shape_cast %swap3A_223 : vector<1x16xf32> to vector<16xf32>
        %swap3A_225 = vector.shape_cast %div3A_219 : vector<16xf32> to vector<1x16xf32>
        tpu.vector_store %arg7[%swap3A_221, %swap3A_222], %swap3A_225 {strides = array<i32>} : memref<8x1024xf32, #tpu.memory_space<vmem>>, vector<1x16xf32>,
        %mul3A_226 = arith.constant 16 : i32
        %mul3A_227 = arith.muli %scan3A_24, %mul3A_226 : i32
        %get3A_228 = arith.constant 24 : i32
        %get3A_229 = arith.index_cast %get3A_228 : i32 to index
        %get3A_230 = arith.index_cast %mul3A_227 : i32 to index
        %get3A_231 = tpu.vector_load %arg6[%get3A_229, %get3A_230] {strides = array<i32>} : memref<32x1024xf32, #tpu.memory_space<vmem>>, vector<1x16xf32>,
        %get3A_232 = vector.shape_cast %get3A_231 : vector<1x16xf32> to vector<16xf32>
        %get3A_233 = arith.constant 25 : i32
        %get3A_234 = arith.index_cast %get3A_233 : i32 to index
        %get3A_235 = arith.index_cast %mul3A_227 : i32 to index
        %get3A_236 = tpu.vector_load %arg6[%get3A_234, %get3A_235] {strides = array<i32>} : memref<32x1024xf32, #tpu.memory_space<vmem>>, vector<1x16xf32>,
        %get3A_237 = vector.shape_cast %get3A_236 : vector<1x16xf32> to vector<16xf32>
        %add3A_238 = arith.addf %get3A_232, %get3A_237 : vector<16xf32>
        %get3A_239 = arith.constant 26 : i32
        %get3A_240 = arith.index_cast %get3A_239 : i32 to index
        %get3A_241 = arith.index_cast %mul3A_227 : i32 to index
        %get3A_242 = tpu.vector_load %arg6[%get3A_240, %get3A_241] {strides = array<i32>} : memref<32x1024xf32, #tpu.memory_space<vmem>>, vector<1x16xf32>,
        %get3A_243 = vector.shape_cast %get3A_242 : vector<1x16xf32> to vector<16xf32>
        %add3A_244 = arith.addf %add3A_238, %get3A_243 : vector<16xf32>
        %get3A_245 = arith.constant 27 : i32
        %get3A_246 = arith.index_cast %get3A_245 : i32 to index
        %get3A_247 = arith.index_cast %mul3A_227 : i32 to index
        %get3A_248 = tpu.vector_load %arg6[%get3A_246, %get3A_247] {strides = array<i32>} : memref<32x1024xf32, #tpu.memory_space<vmem>>, vector<1x16xf32>,
        %get3A_249 = vector.shape_cast %get3A_248 : vector<1x16xf32> to vector<16xf32>
        %add3A_250 = arith.addf %add3A_244, %get3A_249 : vector<16xf32>
        %div3A_251 = arith.constant 4.000000e+00 : f32
        %div3A_252 = vector.broadcast %div3A_251 : f32 to vector<16xf32>
        %div3A_253 = arith.divf %add3A_250, %div3A_252 : vector<16xf32>
        %swap3A_254 = arith.constant 6 : i32
        %swap3A_255 = arith.index_cast %swap3A_254 : i32 to index
        %swap3A_256 = arith.index_cast %mul3A_227 : i32 to index
        %swap3A_257 = tpu.vector_load %arg7[%swap3A_255, %swap3A_256] {strides = array<i32>} : memref<8x1024xf32, #tpu.memory_space<vmem>>, vector<1x16xf32>,
        %swap3A_258 = vector.shape_cast %swap3A_257 : vector<1x16xf32> to vector<16xf32>
        %swap3A_259 = vector.shape_cast %div3A_253 : vector<16xf32> to vector<1x16xf32>
        tpu.vector_store %arg7[%swap3A_255, %swap3A_256], %swap3A_259 {strides = array<i32>} : memref<8x1024xf32, #tpu.memory_space<vmem>>, vector<1x16xf32>,
        %mul3A_260 = arith.constant 16 : i32
        %mul3A_261 = arith.muli %scan3A_24, %mul3A_260 : i32
        %get3A_262 = arith.constant 28 : i32
        %get3A_263 = arith.index_cast %get3A_262 : i32 to index
        %get3A_264 = arith.index_cast %mul3A_261 : i32 to index
        %get3A_265 = tpu.vector_load %arg6[%get3A_263, %get3A_264] {strides = array<i32>} : memref<32x1024xf32, #tpu.memory_space<vmem>>, vector<1x16xf32>,
        %get3A_266 = vector.shape_cast %get3A_265 : vector<1x16xf32> to vector<16xf32>
        %get3A_267 = arith.constant 29 : i32
        %get3A_268 = arith.index_cast %get3A_267 : i32 to index
        %get3A_269 = arith.index_cast %mul3A_261 : i32 to index
        %get3A_270 = tpu.vector_load %arg6[%get3A_268, %get3A_269] {strides = array<i32>} : memref<32x1024xf32, #tpu.memory_space<vmem>>, vector<1x16xf32>,
        %get3A_271 = vector.shape_cast %get3A_270 : vector<1x16xf32> to vector<16xf32>
        %add3A_272 = arith.addf %get3A_266, %get3A_271 : vector<16xf32>
        %get3A_273 = arith.constant 30 : i32
        %get3A_274 = arith.index_cast %get3A_273 : i32 to index
        %get3A_275 = arith.index_cast %mul3A_261 : i32 to index
        %get3A_276 = tpu.vector_load %arg6[%get3A_274, %get3A_275] {strides = array<i32>} : memref<32x1024xf32, #tpu.memory_space<vmem>>, vector<1x16xf32>,
        %get3A_277 = vector.shape_cast %get3A_276 : vector<1x16xf32> to vector<16xf32>
        %add3A_278 = arith.addf %add3A_272, %get3A_277 : vector<16xf32>
        %get3A_279 = arith.constant 31 : i32
        %get3A_280 = arith.index_cast %get3A_279 : i32 to index
        %get3A_281 = arith.index_cast %mul3A_261 : i32 to index
        %get3A_282 = tpu.vector_load %arg6[%get3A_280, %get3A_281] {strides = array<i32>} : memref<32x1024xf32, #tpu.memory_space<vmem>>, vector<1x16xf32>,
        %get3A_283 = vector.shape_cast %get3A_282 : vector<1x16xf32> to vector<16xf32>
        %add3A_284 = arith.addf %add3A_278, %get3A_283 : vector<16xf32>
        %div3A_285 = arith.constant 4.000000e+00 : f32
        %div3A_286 = vector.broadcast %div3A_285 : f32 to vector<16xf32>
        %div3A_287 = arith.divf %add3A_284, %div3A_286 : vector<16xf32>
        %swap3A_288 = arith.constant 7 : i32
        %swap3A_289 = arith.index_cast %swap3A_288 : i32 to index
        %swap3A_290 = arith.index_cast %mul3A_261 : i32 to index
        %swap3A_291 = tpu.vector_load %arg7[%swap3A_289, %swap3A_290] {strides = array<i32>} : memref<8x1024xf32, #tpu.memory_space<vmem>>, vector<1x16xf32>,
        %swap3A_292 = vector.shape_cast %swap3A_291 : vector<1x16xf32> to vector<16xf32>
        %swap3A_293 = vector.shape_cast %div3A_287 : vector<16xf32> to vector<1x16xf32>
        tpu.vector_store %arg7[%swap3A_289, %swap3A_290], %swap3A_293 {strides = array<i32>} : memref<8x1024xf32, #tpu.memory_space<vmem>>, vector<1x16xf32>,
      }
      %scan3A_23 = arith.constant 64 : i32
      "tpu.region"() ({
        %run_scoped3A = tpu.sem_alloc : memref<!tpu.dma_semaphore, #tpu.memory_space<semaphore_mem>>
        %dma_start3A_24 = arith.constant 0 : i32
        %dma_start3A_25 = tpu.memref_slice %arg4[%add3A_11, %dma_start3A_24] : memref<1024x1024xf32, #tpu.memory_space<hbm>> -> memref<8x1024xf32, #tpu.memory_space<hbm>>
        %dma_start3A_26 = arith.constant 0 : i32
        %dma_start3A_27 = tpu.memref_slice %arg4[%add3A_11, %dma_start3A_26] : memref<1024x1024xf32, #tpu.memory_space<hbm>> -> memref<8x1024xf32, #tpu.memory_space<hbm>>
        tpu.enqueue_dma source(%arg7 : memref<8x1024xf32, #tpu.memory_space<vmem>>) target(%dma_start3A_27 : memref<8x1024xf32, #tpu.memory_space<hbm>>) target_semaphore(%run_scoped3A : memref<!tpu.dma_semaphore, #tpu.memory_space<semaphore_mem>>)
        %dma_wait3A_28 = arith.constant 0 : i32
        %dma_wait3A_29 = tpu.memref_slice %arg4[%add3A_11, %dma_wait3A_28] : memref<1024x1024xf32, #tpu.memory_space<hbm>> -> memref<8x1024xf32, #tpu.memory_space<hbm>>
        %dma_wait3A_30 = arith.constant 0 : i32
        %dma_wait3A_31 = tpu.memref_slice %arg4[%add3A_11, %dma_wait3A_30] : memref<1024x1024xf32, #tpu.memory_space<hbm>> -> memref<8x1024xf32, #tpu.memory_space<hbm>>
        tpu.wait_dma2 semaphore(%run_scoped3A : memref<!tpu.dma_semaphore, #tpu.memory_space<semaphore_mem>>) src(%arg7 : memref<8x1024xf32, #tpu.memory_space<vmem>>) dst(%dma_wait3A_31 : memref<8x1024xf32, #tpu.memory_space<hbm>>)
        tpu.yield
      }) : () -> ()
    }
    %scan3A_5 = arith.constant 4 : i32
    return
  }
}

module attributes {stable_mosaic.version = 14 : i64} {
  func.func @_topk_body(%arg0: i32, %arg1: memref<1024x1024xf32, #tpu.memory_space<vmem>>, %arg2: memref<2048x1024xf32, #tpu.memory_space<vmem>>, %arg3: memref<1024x1xf32, #tpu.memory_space<vmem>>, %arg4: memref<1x2048xf32, #tpu.memory_space<vmem>>, %arg5: memref<1024x4xi32, #tpu.memory_space<vmem>>, %arg6: memref<1024x4xf32, #tpu.memory_space<vmem>>, %arg7: memref<1024x4xf32, #tpu.memory_space<vmem>>) attributes {dimension_semantics = [#tpu.dimension_semantics<arbitrary>], iteration_bounds = array<i64: 8>, scalar_prefetch = 0 : i64, scratch_operands = 2 : i64, tpu.core_type = #tpu.core_type<tc>, window_params = [{pipeline_mode = #tpu.pipeline_mode<synchronous>, transform_indices = @transform_0, window_bounds = array<i64: 1024, 1024>}, {transform_indices = @transform_1, window_bounds = array<i64: 2048, 1024>}, {pipeline_mode = #tpu.pipeline_mode<synchronous>, transform_indices = @transform_2, window_bounds = array<i64: 1024, 1>}, {transform_indices = @transform_3, window_bounds = array<i64: 1, 2048>}, {pipeline_mode = #tpu.pipeline_mode<synchronous>, transform_indices = @transform_4, window_bounds = array<i64: 1024, 4>}]} {
    %eq3A = arith.constant 0 : i32
    %eq3A_0 = arith.cmpi eq, %arg0, %eq3A : i32
    %convert_element_type3A = arith.extui %eq3A_0 : i1 to i32
    %cond3A = arith.constant 0 : i32
    %cond3A_1 = arith.cmpi ne, %convert_element_type3A, %cond3A : i32
    scf.if %cond3A_1 {
      %broadcast_in_dim3A_178 = arith.constant 0xFF800000 : f32
      %broadcast_in_dim3A_179 = vector.broadcast %broadcast_in_dim3A_178 : f32 to vector<1024x4xf32>
      %swap3A_180 = arith.constant 0 : index
      %swap3A_181 = arith.constant 0 : index
      %swap3A_182 = vector.load %arg6[%swap3A_180, %swap3A_181] : memref<1024x4xf32, #tpu.memory_space<vmem>>, vector<1024x4xf32>
      tpu.vector_store %arg6[%swap3A_180, %swap3A_181], %broadcast_in_dim3A_179 {strides = array<i32>} : memref<1024x4xf32, #tpu.memory_space<vmem>>, vector<1024x4xf32>,
      %broadcast_in_dim3A_183 = arith.constant -1.000000e+00 : f32
      %broadcast_in_dim3A_184 = vector.broadcast %broadcast_in_dim3A_183 : f32 to vector<1024x4xf32>
      %swap3A_185 = arith.constant 0 : index
      %swap3A_186 = arith.constant 0 : index
      %swap3A_187 = vector.load %arg7[%swap3A_185, %swap3A_186] : memref<1024x4xf32, #tpu.memory_space<vmem>>, vector<1024x4xf32>
      tpu.vector_store %arg7[%swap3A_185, %swap3A_186], %broadcast_in_dim3A_184 {strides = array<i32>} : memref<1024x4xf32, #tpu.memory_space<vmem>>, vector<1024x4xf32>,
    } else {
    }
    %get3A = arith.constant 0 : index
    %get3A_2 = arith.constant 0 : index
    %get3A_3 = vector.load %arg1[%get3A, %get3A_2] : memref<1024x1024xf32, #tpu.memory_space<vmem>>, vector<1024x1024xf32>
    %get3A_4 = arith.constant 0 : index
    %get3A_5 = arith.constant 0 : index
    %get3A_6 = vector.load %arg2[%get3A_4, %get3A_5] : memref<2048x1024xf32, #tpu.memory_space<vmem>>, vector<2048x1024xf32>
    %dot_general3A = arith.constant dense<0.000000e+00> : vector<1024x2048xf32>
    %dot_general3A_7 = tpu.matmul %get3A_3, %get3A_6, %dot_general3A {dimension_numbers = #tpu.dot_dimension_numbers<[1], [1], [0], [0], [0, 0, 1, 0], [], []>, transpose_lhs_hint = false} : vector<1024x1024xf32>, vector<2048x1024xf32>, vector<1024x2048xf32> -> vector<1024x2048xf32>
    %get3A_8 = arith.constant 0 : index
    %get3A_9 = arith.constant 0 : index
    %get3A_10 = vector.load %arg3[%get3A_8, %get3A_9] : memref<1024x1xf32, #tpu.memory_space<vmem>>, vector<1024x1xf32>
    %get3A_11 = arith.constant 0 : index
    %get3A_12 = arith.constant 0 : index
    %get3A_13 = vector.load %arg4[%get3A_11, %get3A_12] : memref<1x2048xf32, #tpu.memory_space<vmem>>, vector<1x2048xf32>
    %mul3A = arith.mulf %get3A_10, %get3A_10 : vector<1024x1xf32>
    %mul3A_14 = arith.mulf %get3A_13, %get3A_13 : vector<1x2048xf32>
    %add3A = vector.broadcast %mul3A : vector<1024x1xf32> to vector<1024x2048xf32>
    %add3A_15 = vector.broadcast %mul3A_14 : vector<1x2048xf32> to vector<1024x2048xf32>
    %add3A_16 = arith.addf %add3A, %add3A_15 : vector<1024x2048xf32>
    %mul3A_17 = arith.constant 2.000000e+00 : f32
    %mul3A_18 = vector.broadcast %mul3A_17 : f32 to vector<1024x2048xf32>
    %mul3A_19 = arith.mulf %dot_general3A_7, %mul3A_18 : vector<1024x2048xf32>
    %sub3A = arith.subf %add3A_16, %mul3A_19 : vector<1024x2048xf32>
    %max3A = arith.constant 0.000000e+00 : f32
    %max3A_20 = vector.broadcast %max3A : f32 to vector<1024x2048xf32>
    %max3A_21 = arith.maximumf %max3A_20, %sub3A : vector<1024x2048xf32>
    %neg3A = arith.constant 0.000000e+00 : f32
    %neg3A_22 = vector.broadcast %neg3A : f32 to vector<1024x2048xf32>
    %neg3A_23 = arith.subf %neg3A_22, %max3A_21 : vector<1024x2048xf32>
    %add3A_24 = vector.broadcast %mul3A : vector<1024x1xf32> to vector<1024x2048xf32>
    %add3A_25 = arith.addf %neg3A_23, %add3A_24 : vector<1024x2048xf32>
    %add3A_26 = vector.broadcast %mul3A_14 : vector<1x2048xf32> to vector<1024x2048xf32>
    %add3A_27 = arith.addf %add3A_25, %add3A_26 : vector<1024x2048xf32>
    %mul3A_28 = arith.constant 5.000000e-01 : f32
    %mul3A_29 = vector.broadcast %mul3A_28 : f32 to vector<1024x2048xf32>
    %mul3A_30 = arith.mulf %add3A_27, %mul3A_29 : vector<1024x2048xf32>
    %mul3A_31 = vector.broadcast %get3A_10 : vector<1024x1xf32> to vector<1024x2048xf32>
    %mul3A_32 = vector.broadcast %get3A_13 : vector<1x2048xf32> to vector<1024x2048xf32>
    %mul3A_33 = arith.mulf %mul3A_31, %mul3A_32 : vector<1024x2048xf32>
    %reciprocal3A = tpu.reciprocal %mul3A_33 {approx = true, full_range = false} : vector<1024x2048xf32> -> vector<1024x2048xf32>
    %mul3A_34 = arith.mulf %mul3A_30, %reciprocal3A : vector<1024x2048xf32>
    %sub3A_35 = arith.constant 1.000000e+00 : f32
    %sub3A_36 = vector.broadcast %sub3A_35 : f32 to vector<1024x2048xf32>
    %sub3A_37 = arith.subf %mul3A_34, %sub3A_36 : vector<1024x2048xf32>
    %iota3A = tpu.iota {dimensions = array<i32: 1>} : vector<1024x2048xi32>
    %convert_element_type3A_38 = arith.sitofp %iota3A : vector<1024x2048xi32> to vector<1024x2048xf32>
    %mul3A_39 = arith.constant 2048 : i32
    %mul3A_40 = arith.muli %arg0, %mul3A_39 : i32
    %convert_element_type3A_41 = arith.sitofp %mul3A_40 : i32 to f32
    %add3A_42 = vector.broadcast %convert_element_type3A_41 : f32 to vector<1024x2048xf32>
    %add3A_43 = arith.addf %convert_element_type3A_38, %add3A_42 : vector<1024x2048xf32>
    %reduce_max3A = arith.constant dense<0xFF800000> : vector<1024xf32>
    %reduce_max3A_44 = vector.multi_reduction <maximumf>, %sub3A_37, %reduce_max3A [1] : vector<1024x2048xf32> to vector<1024xf32>
    %broadcast_in_dim3A = vector.shape_cast %reduce_max3A_44 : vector<1024xf32> to vector<1024x1xf32>
    %eq3A_45 = vector.broadcast %broadcast_in_dim3A : vector<1024x1xf32> to vector<1024x2048xf32>
    %eq3A_46 = arith.cmpf oeq, %sub3A_37, %eq3A_45 : vector<1024x2048xf32>
    %jit3A = arith.constant 0x7F800000 : f32
    %broadcast_in_dim3A_47 = vector.broadcast %jit3A : f32 to vector<1024x2048xf32>
    %select_n3A = arith.select %eq3A_46, %add3A_43, %broadcast_in_dim3A_47 : vector<1024x2048xi1>, vector<1024x2048xf32>
    %reduce_min3A = arith.constant dense<0x7F800000> : vector<1024xf32>
    %reduce_min3A_48 = vector.multi_reduction <minimumf>, %select_n3A, %reduce_min3A [1] : vector<1024x2048xf32> to vector<1024xf32>
    %broadcast_in_dim3A_49 = vector.shape_cast %reduce_min3A_48 : vector<1024xf32> to vector<1024x1xf32>
    %eq3A_50 = vector.broadcast %broadcast_in_dim3A_49 : vector<1024x1xf32> to vector<1024x2048xf32>
    %eq3A_51 = arith.cmpf oeq, %add3A_43, %eq3A_50 : vector<1024x2048xf32>
    %jit3A_52 = arith.constant 0xFF800000 : f32
    %broadcast_in_dim3A_53 = vector.broadcast %jit3A_52 : f32 to vector<1024x2048xf32>
    %select_n3A_54 = arith.select %eq3A_51, %broadcast_in_dim3A_53, %sub3A_37 : vector<1024x2048xi1>, vector<1024x2048xf32>
    %reduce_max3A_55 = arith.constant dense<0xFF800000> : vector<1024xf32>
    %reduce_max3A_56 = vector.multi_reduction <maximumf>, %select_n3A_54, %reduce_max3A_55 [1] : vector<1024x2048xf32> to vector<1024xf32>
    %broadcast_in_dim3A_57 = vector.shape_cast %reduce_max3A_56 : vector<1024xf32> to vector<1024x1xf32>
    %eq3A_58 = vector.broadcast %broadcast_in_dim3A_57 : vector<1024x1xf32> to vector<1024x2048xf32>
    %eq3A_59 = arith.cmpf oeq, %select_n3A_54, %eq3A_58 : vector<1024x2048xf32>
    %jit3A_60 = arith.constant 0x7F800000 : f32
    %broadcast_in_dim3A_61 = vector.broadcast %jit3A_60 : f32 to vector<1024x2048xf32>
    %select_n3A_62 = arith.select %eq3A_59, %add3A_43, %broadcast_in_dim3A_61 : vector<1024x2048xi1>, vector<1024x2048xf32>
    %reduce_min3A_63 = arith.constant dense<0x7F800000> : vector<1024xf32>
    %reduce_min3A_64 = vector.multi_reduction <minimumf>, %select_n3A_62, %reduce_min3A_63 [1] : vector<1024x2048xf32> to vector<1024xf32>
    %broadcast_in_dim3A_65 = vector.shape_cast %reduce_min3A_64 : vector<1024xf32> to vector<1024x1xf32>
    %eq3A_66 = vector.broadcast %broadcast_in_dim3A_65 : vector<1024x1xf32> to vector<1024x2048xf32>
    %eq3A_67 = arith.cmpf oeq, %add3A_43, %eq3A_66 : vector<1024x2048xf32>
    %jit3A_68 = arith.constant 0xFF800000 : f32
    %broadcast_in_dim3A_69 = vector.broadcast %jit3A_68 : f32 to vector<1024x2048xf32>
    %select_n3A_70 = arith.select %eq3A_67, %broadcast_in_dim3A_69, %select_n3A_54 : vector<1024x2048xi1>, vector<1024x2048xf32>
    %reduce_max3A_71 = arith.constant dense<0xFF800000> : vector<1024xf32>
    %reduce_max3A_72 = vector.multi_reduction <maximumf>, %select_n3A_70, %reduce_max3A_71 [1] : vector<1024x2048xf32> to vector<1024xf32>
    %broadcast_in_dim3A_73 = vector.shape_cast %reduce_max3A_72 : vector<1024xf32> to vector<1024x1xf32>
    %eq3A_74 = vector.broadcast %broadcast_in_dim3A_73 : vector<1024x1xf32> to vector<1024x2048xf32>
    %eq3A_75 = arith.cmpf oeq, %select_n3A_70, %eq3A_74 : vector<1024x2048xf32>
    %jit3A_76 = arith.constant 0x7F800000 : f32
    %broadcast_in_dim3A_77 = vector.broadcast %jit3A_76 : f32 to vector<1024x2048xf32>
    %select_n3A_78 = arith.select %eq3A_75, %add3A_43, %broadcast_in_dim3A_77 : vector<1024x2048xi1>, vector<1024x2048xf32>
    %reduce_min3A_79 = arith.constant dense<0x7F800000> : vector<1024xf32>
    %reduce_min3A_80 = vector.multi_reduction <minimumf>, %select_n3A_78, %reduce_min3A_79 [1] : vector<1024x2048xf32> to vector<1024xf32>
    %broadcast_in_dim3A_81 = vector.shape_cast %reduce_min3A_80 : vector<1024xf32> to vector<1024x1xf32>
    %eq3A_82 = vector.broadcast %broadcast_in_dim3A_81 : vector<1024x1xf32> to vector<1024x2048xf32>
    %eq3A_83 = arith.cmpf oeq, %add3A_43, %eq3A_82 : vector<1024x2048xf32>
    %jit3A_84 = arith.constant 0xFF800000 : f32
    %broadcast_in_dim3A_85 = vector.broadcast %jit3A_84 : f32 to vector<1024x2048xf32>
    %select_n3A_86 = arith.select %eq3A_83, %broadcast_in_dim3A_85, %select_n3A_70 : vector<1024x2048xi1>, vector<1024x2048xf32>
    %reduce_max3A_87 = arith.constant dense<0xFF800000> : vector<1024xf32>
    %reduce_max3A_88 = vector.multi_reduction <maximumf>, %select_n3A_86, %reduce_max3A_87 [1] : vector<1024x2048xf32> to vector<1024xf32>
    %broadcast_in_dim3A_89 = vector.shape_cast %reduce_max3A_88 : vector<1024xf32> to vector<1024x1xf32>
    %eq3A_90 = vector.broadcast %broadcast_in_dim3A_89 : vector<1024x1xf32> to vector<1024x2048xf32>
    %eq3A_91 = arith.cmpf oeq, %select_n3A_86, %eq3A_90 : vector<1024x2048xf32>
    %jit3A_92 = arith.constant 0x7F800000 : f32
    %broadcast_in_dim3A_93 = vector.broadcast %jit3A_92 : f32 to vector<1024x2048xf32>
    %select_n3A_94 = arith.select %eq3A_91, %add3A_43, %broadcast_in_dim3A_93 : vector<1024x2048xi1>, vector<1024x2048xf32>
    %reduce_min3A_95 = arith.constant dense<0x7F800000> : vector<1024xf32>
    %reduce_min3A_96 = vector.multi_reduction <minimumf>, %select_n3A_94, %reduce_min3A_95 [1] : vector<1024x2048xf32> to vector<1024xf32>
    %broadcast_in_dim3A_97 = vector.shape_cast %reduce_min3A_96 : vector<1024xf32> to vector<1024x1xf32>
    %concatenate3A = tpu.concatenate %broadcast_in_dim3A, %broadcast_in_dim3A_57, %broadcast_in_dim3A_73, %broadcast_in_dim3A_89 in 1 : vector<1024x1xf32>, vector<1024x1xf32>, vector<1024x1xf32>, vector<1024x1xf32> -> vector<1024x4xf32>
    %concatenate3A_98 = tpu.concatenate %broadcast_in_dim3A_49, %broadcast_in_dim3A_65, %broadcast_in_dim3A_81, %broadcast_in_dim3A_97 in 1 : vector<1024x1xf32>, vector<1024x1xf32>, vector<1024x1xf32>, vector<1024x1xf32> -> vector<1024x4xf32>
    %get3A_99 = arith.constant 0 : index
    %get3A_100 = arith.constant 0 : index
    %get3A_101 = vector.load %arg6[%get3A_99, %get3A_100] : memref<1024x4xf32, #tpu.memory_space<vmem>>, vector<1024x4xf32>
    %concatenate3A_102 = tpu.concatenate %get3A_101, %concatenate3A in 1 : vector<1024x4xf32>, vector<1024x4xf32> -> vector<1024x8xf32>
    %get3A_103 = arith.constant 0 : index
    %get3A_104 = arith.constant 0 : index
    %get3A_105 = vector.load %arg7[%get3A_103, %get3A_104] : memref<1024x4xf32, #tpu.memory_space<vmem>>, vector<1024x4xf32>
    %concatenate3A_106 = tpu.concatenate %get3A_105, %concatenate3A_98 in 1 : vector<1024x4xf32>, vector<1024x4xf32> -> vector<1024x8xf32>
    %reduce_max3A_107 = arith.constant dense<0xFF800000> : vector<1024xf32>
    %reduce_max3A_108 = vector.multi_reduction <maximumf>, %concatenate3A_102, %reduce_max3A_107 [1] : vector<1024x8xf32> to vector<1024xf32>
    %broadcast_in_dim3A_109 = vector.shape_cast %reduce_max3A_108 : vector<1024xf32> to vector<1024x1xf32>
    %eq3A_110 = vector.broadcast %broadcast_in_dim3A_109 : vector<1024x1xf32> to vector<1024x8xf32>
    %eq3A_111 = arith.cmpf oeq, %concatenate3A_102, %eq3A_110 : vector<1024x8xf32>
    %jit3A_112 = arith.constant 0x7F800000 : f32
    %broadcast_in_dim3A_113 = vector.broadcast %jit3A_112 : f32 to vector<1024x8xf32>
    %select_n3A_114 = arith.select %eq3A_111, %concatenate3A_106, %broadcast_in_dim3A_113 : vector<1024x8xi1>, vector<1024x8xf32>
    %reduce_min3A_115 = arith.constant dense<0x7F800000> : vector<1024xf32>
    %reduce_min3A_116 = vector.multi_reduction <minimumf>, %select_n3A_114, %reduce_min3A_115 [1] : vector<1024x8xf32> to vector<1024xf32>
    %broadcast_in_dim3A_117 = vector.shape_cast %reduce_min3A_116 : vector<1024xf32> to vector<1024x1xf32>
    %eq3A_118 = vector.broadcast %broadcast_in_dim3A_117 : vector<1024x1xf32> to vector<1024x8xf32>
    %eq3A_119 = arith.cmpf oeq, %concatenate3A_106, %eq3A_118 : vector<1024x8xf32>
    %jit3A_120 = arith.constant 0xFF800000 : f32
    %broadcast_in_dim3A_121 = vector.broadcast %jit3A_120 : f32 to vector<1024x8xf32>
    %select_n3A_122 = arith.select %eq3A_119, %broadcast_in_dim3A_121, %concatenate3A_102 : vector<1024x8xi1>, vector<1024x8xf32>
    %reduce_max3A_123 = arith.constant dense<0xFF800000> : vector<1024xf32>
    %reduce_max3A_124 = vector.multi_reduction <maximumf>, %select_n3A_122, %reduce_max3A_123 [1] : vector<1024x8xf32> to vector<1024xf32>
    %broadcast_in_dim3A_125 = vector.shape_cast %reduce_max3A_124 : vector<1024xf32> to vector<1024x1xf32>
    %eq3A_126 = vector.broadcast %broadcast_in_dim3A_125 : vector<1024x1xf32> to vector<1024x8xf32>
    %eq3A_127 = arith.cmpf oeq, %select_n3A_122, %eq3A_126 : vector<1024x8xf32>
    %jit3A_128 = arith.constant 0x7F800000 : f32
    %broadcast_in_dim3A_129 = vector.broadcast %jit3A_128 : f32 to vector<1024x8xf32>
    %select_n3A_130 = arith.select %eq3A_127, %concatenate3A_106, %broadcast_in_dim3A_129 : vector<1024x8xi1>, vector<1024x8xf32>
    %reduce_min3A_131 = arith.constant dense<0x7F800000> : vector<1024xf32>
    %reduce_min3A_132 = vector.multi_reduction <minimumf>, %select_n3A_130, %reduce_min3A_131 [1] : vector<1024x8xf32> to vector<1024xf32>
    %broadcast_in_dim3A_133 = vector.shape_cast %reduce_min3A_132 : vector<1024xf32> to vector<1024x1xf32>
    %eq3A_134 = vector.broadcast %broadcast_in_dim3A_133 : vector<1024x1xf32> to vector<1024x8xf32>
    %eq3A_135 = arith.cmpf oeq, %concatenate3A_106, %eq3A_134 : vector<1024x8xf32>
    %jit3A_136 = arith.constant 0xFF800000 : f32
    %broadcast_in_dim3A_137 = vector.broadcast %jit3A_136 : f32 to vector<1024x8xf32>
    %select_n3A_138 = arith.select %eq3A_135, %broadcast_in_dim3A_137, %select_n3A_122 : vector<1024x8xi1>, vector<1024x8xf32>
    %reduce_max3A_139 = arith.constant dense<0xFF800000> : vector<1024xf32>
    %reduce_max3A_140 = vector.multi_reduction <maximumf>, %select_n3A_138, %reduce_max3A_139 [1] : vector<1024x8xf32> to vector<1024xf32>
    %broadcast_in_dim3A_141 = vector.shape_cast %reduce_max3A_140 : vector<1024xf32> to vector<1024x1xf32>
    %eq3A_142 = vector.broadcast %broadcast_in_dim3A_141 : vector<1024x1xf32> to vector<1024x8xf32>
    %eq3A_143 = arith.cmpf oeq, %select_n3A_138, %eq3A_142 : vector<1024x8xf32>
    %jit3A_144 = arith.constant 0x7F800000 : f32
    %broadcast_in_dim3A_145 = vector.broadcast %jit3A_144 : f32 to vector<1024x8xf32>
    %select_n3A_146 = arith.select %eq3A_143, %concatenate3A_106, %broadcast_in_dim3A_145 : vector<1024x8xi1>, vector<1024x8xf32>
    %reduce_min3A_147 = arith.constant dense<0x7F800000> : vector<1024xf32>
    %reduce_min3A_148 = vector.multi_reduction <minimumf>, %select_n3A_146, %reduce_min3A_147 [1] : vector<1024x8xf32> to vector<1024xf32>
    %broadcast_in_dim3A_149 = vector.shape_cast %reduce_min3A_148 : vector<1024xf32> to vector<1024x1xf32>
    %eq3A_150 = vector.broadcast %broadcast_in_dim3A_149 : vector<1024x1xf32> to vector<1024x8xf32>
    %eq3A_151 = arith.cmpf oeq, %concatenate3A_106, %eq3A_150 : vector<1024x8xf32>
    %jit3A_152 = arith.constant 0xFF800000 : f32
    %broadcast_in_dim3A_153 = vector.broadcast %jit3A_152 : f32 to vector<1024x8xf32>
    %select_n3A_154 = arith.select %eq3A_151, %broadcast_in_dim3A_153, %select_n3A_138 : vector<1024x8xi1>, vector<1024x8xf32>
    %reduce_max3A_155 = arith.constant dense<0xFF800000> : vector<1024xf32>
    %reduce_max3A_156 = vector.multi_reduction <maximumf>, %select_n3A_154, %reduce_max3A_155 [1] : vector<1024x8xf32> to vector<1024xf32>
    %broadcast_in_dim3A_157 = vector.shape_cast %reduce_max3A_156 : vector<1024xf32> to vector<1024x1xf32>
    %eq3A_158 = vector.broadcast %broadcast_in_dim3A_157 : vector<1024x1xf32> to vector<1024x8xf32>
    %eq3A_159 = arith.cmpf oeq, %select_n3A_154, %eq3A_158 : vector<1024x8xf32>
    %jit3A_160 = arith.constant 0x7F800000 : f32
    %broadcast_in_dim3A_161 = vector.broadcast %jit3A_160 : f32 to vector<1024x8xf32>
    %select_n3A_162 = arith.select %eq3A_159, %concatenate3A_106, %broadcast_in_dim3A_161 : vector<1024x8xi1>, vector<1024x8xf32>
    %reduce_min3A_163 = arith.constant dense<0x7F800000> : vector<1024xf32>
    %reduce_min3A_164 = vector.multi_reduction <minimumf>, %select_n3A_162, %reduce_min3A_163 [1] : vector<1024x8xf32> to vector<1024xf32>
    %broadcast_in_dim3A_165 = vector.shape_cast %reduce_min3A_164 : vector<1024xf32> to vector<1024x1xf32>
    %concatenate3A_166 = tpu.concatenate %broadcast_in_dim3A_109, %broadcast_in_dim3A_125, %broadcast_in_dim3A_141, %broadcast_in_dim3A_157 in 1 : vector<1024x1xf32>, vector<1024x1xf32>, vector<1024x1xf32>, vector<1024x1xf32> -> vector<1024x4xf32>
    %concatenate3A_167 = tpu.concatenate %broadcast_in_dim3A_117, %broadcast_in_dim3A_133, %broadcast_in_dim3A_149, %broadcast_in_dim3A_165 in 1 : vector<1024x1xf32>, vector<1024x1xf32>, vector<1024x1xf32>, vector<1024x1xf32> -> vector<1024x4xf32>
    %swap3A = arith.constant 0 : index
    %swap3A_168 = arith.constant 0 : index
    %swap3A_169 = vector.load %arg6[%swap3A, %swap3A_168] : memref<1024x4xf32, #tpu.memory_space<vmem>>, vector<1024x4xf32>
    tpu.vector_store %arg6[%swap3A, %swap3A_168], %concatenate3A_166 {strides = array<i32>} : memref<1024x4xf32, #tpu.memory_space<vmem>>, vector<1024x4xf32>,
    %swap3A_170 = arith.constant 0 : index
    %swap3A_171 = arith.constant 0 : index
    %swap3A_172 = vector.load %arg7[%swap3A_170, %swap3A_171] : memref<1024x4xf32, #tpu.memory_space<vmem>>, vector<1024x4xf32>
    tpu.vector_store %arg7[%swap3A_170, %swap3A_171], %concatenate3A_167 {strides = array<i32>} : memref<1024x4xf32, #tpu.memory_space<vmem>>, vector<1024x4xf32>,
    %eq3A_173 = arith.constant 7 : i32
    %eq3A_174 = arith.cmpi eq, %arg0, %eq3A_173 : i32
    %convert_element_type3A_175 = arith.extui %eq3A_174 : i1 to i32
    %cond3A_176 = arith.constant 0 : i32
    %cond3A_177 = arith.cmpi ne, %convert_element_type3A_175, %cond3A_176 : i32
    scf.if %cond3A_177 {
      %convert_element_type3A_178 = arith.fptosi %concatenate3A_167 : vector<1024x4xf32> to vector<1024x4xi32>
      %swap3A_179 = arith.constant 0 : index
      %swap3A_180 = arith.constant 0 : index
      %swap3A_181 = vector.load %arg5[%swap3A_179, %swap3A_180] : memref<1024x4xi32, #tpu.memory_space<vmem>>, vector<1024x4xi32>
      tpu.vector_store %arg5[%swap3A_179, %swap3A_180], %convert_element_type3A_178 {strides = array<i32>} : memref<1024x4xi32, #tpu.memory_space<vmem>>, vector<1024x4xi32>,
    } else {
    }
    return
  }
  func.func @transform_0(%arg0: i32) -> (i32, i32) {
    %c0_i32 = arith.constant 0 : i32
    %c0_i32_0 = arith.constant 0 : i32
    %c0_i32_1 = arith.constant 0 : i32
    return %c0_i32, %c0_i32_0 : i32, i32
  }
  func.func @transform_1(%arg0: i32) -> (i32, i32) {
    %c0_i32 = arith.constant 0 : i32
    %c0_i32_0 = arith.constant 0 : i32
    return %arg0, %c0_i32 : i32, i32
  }
  func.func @transform_2(%arg0: i32) -> (i32, i32) {
    %c0_i32 = arith.constant 0 : i32
    %c0_i32_0 = arith.constant 0 : i32
    %c0_i32_1 = arith.constant 0 : i32
    return %c0_i32, %c0_i32_0 : i32, i32
  }
  func.func @transform_3(%arg0: i32) -> (i32, i32) {
    %c0_i32 = arith.constant 0 : i32
    %c0_i32_0 = arith.constant 0 : i32
    return %c0_i32, %arg0 : i32, i32
  }
  func.func @transform_4(%arg0: i32) -> (i32, i32) {
    %c0_i32 = arith.constant 0 : i32
    %c0_i32_0 = arith.constant 0 : i32
    %c0_i32_1 = arith.constant 0 : i32
    return %c0_i32, %c0_i32_0 : i32, i32
  }
}

</mosaic_0001>

<sc_bundles>
// kernel: kernel.4.cloned.1.call-start
scs
__scs_entry_jumppad:
0x0: {  	(pc) =	sbr.rel $0x88, $3  }
0x1: {  	(tag) =	ssettag $0x0;
	lr =	simm.s32 $0x1  }
0x2: {  	[smem:$0x3F9F] =	sst lr;
	_ =	strace $0xD0000000  }
0x3: {  	_ = 	snop  }
0x4: {  	_ = 	snop  }
0x5: {  	_ = 	snop  }
0x6: {  	_ = 	snop  }
0x7: {  	_ = 	snop  }
__scs_overlays_trampoline_lowered:
0x8: {  	[smem:$0x3FAE] =	sst s0  }
0x9: {  	[smem:$0x3FAF] =	sst s1  }
0xa: {  	[smem:$0x3FB0] =	sst s2  }
0xb: {  	[smem:$0x3FB1] =	sst s3  }
0xc: {  	[smem:$0x3FB2] =	sst s4  }
0xd: {  	[smem:$0x3FB3] =	sst s5  }
0xe: {  	[smem:$0x3FB4] =	sst s6  }
0xf: {  	[smem:$0x3FB5] =	sst s7  }
0x10: {  	[smem:$0x3FB6] =	sst s8  }
0x11: {  	[smem:$0x3FB7] =	sst s9;
	s0 =	simm.s32 @!p0 $0x0  }
0x12: {  	s1 =	sld [smem:$0x3F9D];
	s0 =	simm.s32 @p0 $0x1  }
0x13: {  	[smem:$0x3FB8] =	sst s0;
	s0 =	simm.s32 @!p1 $0x0  }
0x14: {  	s2 =	sld [smem:$0x3F9C];
	s0 =	simm.s32 @p1 $0x1  }
0x15: {  	[smem:$0x3FB9] =	sst s0;
	s0 =	simm.s32 @!p2 $0x0  }
0x16: {  	s3 =	sld [smem:$0x3FDB];
	s0 =	simm.s32 @p2 $0x1  }
0x17: {  	s4 =	simm.s32 $0x1BF5;
	[smem:$0x3FBB] =	sst s0  }
0x18: {  	s0 =	sld [smem:$0x3F9E];
	_ =	swait.ge [sflag:s4], $0x0  }
0x19: {  	s7 =	sld [smem:$0x3F9F]  }
0x1a: {  	s8 =	sadd.s32 $0xFFFFE003, lr  }
0x1b: {  	s9 =	sadd.s32 $0xFFFFFEF7, lr;
	s5 =	simm.s32 $0xFFFFFFFF;
	p2 =	slt.u32 s8, $0xFFFFF086  }
0x1c: {  	p1 =	slt.u32 s9, $0xF7A;
	s5 =	simm.s32 @!p2 $0x0  }
0x1d: {  	s5 =	simm.s32 @p1 $0x1;
	p0 =	seq.s32 s7, s2  }
0x1e: {  	s7 =	smul.u32 @!p0 $0xF7A, s2;
	p2 =	seq.s32 @!p0 s5, $0x0  }
0x1f: {  	s9 =	smul.u32 $0xF7A, s1;
	s8 =	simm.s32 @!p0 $0x1BF5;
	p2 =	por !p2, p0  }
0x20: {  	[sflag:s8] =	ssyncset.s32 @!p0 $0xFFFFF086;
	s6 =	sadd.s32 @!p0 s3, s7;
	s7 =	simm.s32 @!p0 $0x108  }
0x21: {  	s3 =	sadd.s32 s3, s9;
	s6 =	sadd.s32 @!p0 $0x88, s6;
	s7 =	simm.s32 @p2 $0x1082  }
0x22: {  	[simem:s7], [sflag:s8] =	dma.local @!p0 [hbm:s6], $0xF7A  }
0x23: {  	s9 =	sor.u32 $0xD0000000, s2;
	s6 =	simm.s32 $0x108;
	_ =	swait.ge @!p0 [sflag:s8], $0x0  }
0x24: {  	s3 =	sadd.s32 $0x88, s3;
	s6 =	simm.s32 @!p1 $0x1082;
	[sflag:s4] =	ssyncset.s32 $0xFFFFF086  }
0x25: {  	[simem:s6], [sflag:s4] =	dma.local [hbm:s3], $0xF7A  }
0x26: {  	[smem:$0x3F9F] =	sst s1;
	(tag) =	ssettag s2;
	_ =	strace s9  }
0x27: {  	s1 =	sld [smem:$0x3FAF]  }
0x28: {  	s2 =	sld [smem:$0x3FB0]  }
0x29: {  	s4 =	sld [smem:$0x3FB2]  }
0x2a: {  	p0 =	seq.s32 s5, $0x0;
	s5 =	sld [smem:$0x3FB3]  }
0x2b: {  	s6 =	sld [smem:$0x3FB4]  }
0x2c: {  	s7 =	sld [smem:$0x3FB5]  }
0x2d: {  	s3 =	simm.s32 $0x108;
	s8 =	sld [smem:$0x3FB6]  }
0x2e: {  	s3 =	simm.s32 @!p0 $0x1082;
	s9 =	sld [smem:$0x3FB7]  }
0x2f: {  	lr =	sadd.s32 s0, s3;
	s0 =	sld [smem:$0x3FAE]  }
0x30: {  	s3 =	sld [smem:$0x3FB1]  }
0x31: {  	[smem:$0x3FBA] =	sst s10  }
0x32: {  	s10 =	sld [smem:$0x3FB8];
	_ =	sdelay $0x3  }
0x33: {  	p0 =	seq.s32 s10, $0x1;
	s10 =	sld [smem:$0x3FBA];
	_ =	sdelay $0x3  }
0x34: {  	[smem:$0x3FBA] =	sst s10  }
0x35: {  	s10 =	sld [smem:$0x3FB9];
	_ =	sdelay $0x3  }
0x36: {  	p1 =	seq.s32 s10, $0x1;
	s10 =	sld [smem:$0x3FBA];
	_ =	sdelay $0x3  }
0x37: {  	[smem:$0x3FBA] =	sst s10  }
0x38: {  	s10 =	sld [smem:$0x3FBB]  }
0x39: {  	_ = 	snop;
	(pc) =	sbr.ind lr, $3  }
0x3a: {  	_ = 	snop  }
0x3b: {  	_ = 	snop  }
0x3c: {  	p2 =	seq.s32 s10, $0x1;
	s10 =	sld [smem:$0x3FBA]  }
0x3d: {  	_ =	shalt  }
0x3e: {  	_ =	shalt  }
0x3f: {  	_ =	shalt  }
0x40: {  	_ =	shalt  }
0x41: {  	_ =	shalt  }
0x42: {  	_ =	shalt  }
0x43: {  	_ =	shalt  }
0x44: {  	_ =	shalt  }
0x45: {  	_ =	shalt  }
0x46: {  	_ =	shalt  }
0x47: {  	_ =	shalt  }
0x48: {  	_ =	shalt  }
0x49: {  	_ =	shalt  }
0x4a: {  	_ =	shalt  }
0x4b: {  	_ =	shalt  }
0x4c: {  	_ =	shalt  }
0x4d: {  	_ =	shalt  }
0x4e: {  	_ =	shalt  }
0x4f: {  	_ =	shalt  }
0x50: {  	_ =	shalt  }
0x51: {  	_ =	shalt  }
0x52: {  	_ =	shalt  }
0x53: {  	_ =	shalt  }
0x54: {  	_ =	shalt  }
0x55: {  	_ =	shalt  }
0x56: {  	_ =	shalt  }
0x57: {  	_ =	shalt  }
0x58: {  	_ =	shalt  }
0x59: {  	_ =	shalt  }
0x5a: {  	_ =	shalt  }
0x5b: {  	_ =	shalt  }
0x5c: {  	_ =	shalt  }
0x5d: {  	_ =	shalt  }
0x5e: {  	_ =	shalt  }
0x5f: {  	_ =	shalt  }
0x60: {  	_ =	shalt  }
0x61: {  	_ =	shalt  }
0x62: {  	_ =	shalt  }
0x63: {  	_ =	shalt  }
0x64: {  	_ =	shalt  }
0x65: {  	_ =	shalt  }
0x66: {  	_ =	shalt  }
0x67: {  	_ =	shalt  }
0x68: {  	_ =	shalt  }
0x69: {  	_ =	shalt  }
0x6a: {  	_ =	shalt  }
0x6b: {  	_ =	shalt  }
0x6c: {  	_ =	shalt  }
0x6d: {  	_ =	shalt  }
0x6e: {  	_ =	shalt  }
0x6f: {  	_ =	shalt  }
0x70: {  	_ =	shalt  }
0x71: {  	_ =	shalt  }
0x72: {  	_ =	shalt  }
0x73: {  	_ =	shalt  }
0x74: {  	_ =	shalt  }
0x75: {  	_ =	shalt  }
0x76: {  	_ =	shalt  }
0x77: {  	_ =	shalt  }
0x78: {  	_ =	shalt  }
0x79: {  	_ =	shalt  }
0x7a: {  	_ =	shalt  }
0x7b: {  	_ =	shalt  }
0x7c: {  	_ =	shalt  }
0x7d: {  	_ =	shalt  }
0x7e: {  	_ =	shalt  }
0x7f: {  	_ =	shalt  }
0x80: {  	_ =	shalt  }
0x81: {  	_ =	shalt  }
0x82: {  	_ =	shalt  }
0x83: {  	_ =	shalt  }
0x84: {  	_ =	shalt  }
0x85: {  	_ =	shalt  }
0x86: {  	_ =	shalt  }
0x87: {  	_ =	shalt  }
.Lfunc_end0:
.L_simem_size_0:
called_computation_lowered:
.L_overlay_start_0:
0x88: {  	s2 =	sld [smem:$0x3FD9]  }
0x89: {  	s3 =	sld [smem:$0x3FFE];
	_ =	sdelay $0x1  }
0x8a: {  	s1 =	srdreg.scid  }
0x8b: {  	s0 =	sand.u32 $0x1, s1  }
0x8c: {  	s17 =	sshll.u32 s0, $0xA;
	s2 =	sadd.s32 s3, s2  }
0x8d: {  	s2 =	sadd.s32 s2, s17  }
0x8e: {  	[smem:$0x3FC6] =	sst s2  }
0x8f: {  	_ = 	snop  }
0x90: {  	s2 =	sld [smem:$0x3FC8]  }
0x91: {  	s18 =	sld [smem:$0x3FD0];
	(tm) =	ssettm $0x1  }
0x92: {  	s4 =	sld [smem:$0x3FFB];
	_ =	sdelay $0x3  }
0x93: {  	_ =	strace s4  }
0x94: {  	s4 =	sld [smem:$0x3FFC];
	_ =	sdelay $0x3  }
0x95: {  	_ =	strace s4  }
0x96: {  	s4 =	sld [smem:$0x3FFD];
	_ =	sdelay $0x3  }
0x97: {  	_ =	strace s4  }
0x98: {  	_ =	strace $0x8FFFFFFF  }
0x99: {  	s19 =	sld [smem:$0x3FDB];
	_ =	sdelay $0x1  }
0x9a: {  	s5 =	simm.s32 $_scs_section_size  }
0x9b: {  	s6 =	simm.s32 $_size__tile_overlayer_lowered;
	s7 =	simm.s32 $_tile_overlayer_lowered  }
0x9c: {  	s22 =	simm.s32 $0x1BFF;
	s21 =	sshll.u32 s7, $0x1;
	s4 =	sadd.s32 s5, s19  }
0x9d: {  	s8 =	simm.s32 $0x0;
	s20 =	sshll.u32 s6, $0x1;
	s6 =	sadd.s32 s21, s4  }
0x9e: {  	[timem:s8], [sflag:s22] =	dma.local [hbm:s6], s20  }
0x9f: {  	_ =	swait.ge [sflag:s22], s20  }
0xa0: {  	s5 =	ssub.s32 $0x0, s20;
	[sflag:s22] =	ssyncset.done $0x0  }
0xa1: {  	[sflag:s22] =	ssyncadd.s32 s5;
	_ =	sdelay $0x1  }
0xa2: {  	s23 =	simm.s32 $0x1B8B  }
0xa3: {  	_ =	swait.ge [sflag:s23], $0x1  }
0xa4: {  	[sflag:s23] =	ssyncset.done $0x0  }
0xa5: {  	s25 =	simm.s32 $0x1B8E;
	s24 =	sld [smem:$0x3FFE];
	[sflag:s23] =	ssyncadd.s32 $0xFFFFFFFF  }
0xa6: {  	s26 =	simm.s32 $execute0_lowered;
	[smem:$0x3FD2] =	sst s25  }
0xa7: {  	s6 =	sshll.u32 s26, $0x1;
	_ =	strace $0x80000046;
	[dreg:$0x1] =	wrdreg $0xFFFFFFFF  }
0xa8: {  	s28 =	simm.s32 $_size_execute0_lowered;
	s4 =	sadd.s32 s4, s6;
	[dreg:$0x0] =	wrdreg $0x0  }
0xa9: {  	s6 =	sshll.u32 s28, $0x1;
	[dreg:$0x2] =	wrdreg s4  }
0xaa: {  	[dreg:$0x3] =	wrdreg s6  }
0xab: {  	[dreg:$0x4] =	wrdreg $0xC0  }
0xac: {  	_ =	task [dreg:s8], $0x5FFFF  }
0xad: {  	[dreg:$0x1] =	wrdreg $0xFFFFFFFF  }
0xae: {  	[dreg:$0x0] =	wrdreg $0x60  }
0xaf: {  	[dreg:$0x2] =	wrdreg s2  }
0xb0: {  	[dreg:$0x3] =	wrdreg s24  }
0xb1: {  	[dreg:$0x4] =	wrdreg s18  }
0xb2: {  	[dreg:$0x5] =	wrdreg $0x9  }
0xb3: {  	_ =	task.clear_ibuf [dreg:s8], $0x6FFFF;
	_ =	strace $0x90000046  }
0xb4: {  	s29 =	simm.s32 $0x9;
	_ =	strace $0x80000048  }
0xb5: {  	_ =	swait.ge [sflag:s29], $0x1  }
0xb6: {  	[sflag:s29] =	ssyncadd.s32 $0xFFFFFFFF  }
0xb7: {  	_ =	strace $0x90000048  }
0xb8: {  	_ =	sfence  }
0xb9: {  	s30 =	sld [smem:$0x0];
	_ =	sdelay $0x2  }
0xba: {  	s31 =	sshll.u32 s1, $0xD;
	s1 =	sshrl.u32 s1, $0x2  }
0xbb: {  	s3 =	sand.u32 $0x4000, s31;
	s1 =	sadd.s32 s1, s30  }
0xbc: {  	s0 =	sor.u32 s3, s0;
	s1 =	sshll.u32 s1, $0x11  }
0xbd: {  	s0 =	sor.u32 s1, s0  }
0xbe: {  	s0 =	sadd.s32 $0x8F2B, s0  }
0xbf: {  	[sflag:s0] =	ssyncadd.remote.s32 $0x1  }
0xc0: {  	_ =	sfence.sel $0xFFFF  }
0xc1: {  	[dreg:$0x0] =	wrdreg $0xFFFFFFFF;
	(pc) =	sbr.abs _section_cstart, $3  }
0xc2: {  	[dreg:$0x1] =	wrdreg $0xFFFFFFFF  }
0xc3: {  	_ =	task.clear_ibuf [dreg:s8], $0x2FFFF;
	_ =	strace $0x9FFFFFFF  }
0xc4: {  	(tm) =	ssettm $0x7FFFFFFF  }
0xc5: {  	_ =	shalt  }
tec
execute0_lowered:
.L_overlay_start_1:
0x0: {  	(tag) =	ssettag $0x1  }
0x1: {  	s1 =	rddreg [dreg:$0x0];
	s2 =	simm.s32 $0x0  }
0x2: {  	[smem:$0x7FF] =	sst s2  }
0x3: {  	s0 =	srdreg.scid;
	s4 =	stileid.u32;
	v0 =	vimm.f32 $4.000000000e+00;
	_ =	strace $0x80000047  }
0x4: {  	s11 =	simm.s32 $0x2;
	s14 =	simm.s32 $0x1080;
	s15 =	simm.s32 $0x1880;
	(erf) = vrcp.f32 v0  }
0x5: {  	s16 =	simm.s32 $0x2080;
	s17 =	simm.s32 $0x2880;
	s18 =	simm.s32 $0x3080  }
0x6: {  	s19 =	simm.s32 $0x3880;
	s20 =	simm.s32 $0x4080;
	s21 =	simm.s32 $0x4880  }
0x7: {  	s22 =	simm.s32 $0x5080;
	s23 =	simm.s32 $0x5880;
	s24 =	simm.s32 $0x6080  }
0x8: {  	s25 =	simm.s32 $0x6880;
	s28 =	simm.s32 $0x7880;
	s0 =	sand.u32 $0x1, s0  }
0x9: {  	s29 =	simm.s32 $0x1;
	s30 =	simm.s32 $0x8080;
	s26 =	ssub.s32 $0x2, s0  }
0xa: {  	s4 =	sshll.u32 s4, $0x6;
	s7 =	sadd.s32 $0x100, s1;
	s3 =	sshrl.u32 s26, $0x1  }
0xb: {  	v3 =	vlaneseq.u32;
	s8 =	sadd.s32 $0x200, s1;
	s0 =	sshll.u32 s0, $0x5;
	s2 =	ssub.s32 s26, s3  }
0xc: {  	vm0 =	vmmov $0xffff;
	s9 =	sadd.s32 $0x300, s1;
	v2 =	vshrl.u32 v3, $0x3;
	s6 =	sor.u32 s0, s4;
	s31 =	smax.u32 s2, $0x1  }
0xd: {  	v2 =	vmul.u32 $0x8, v2;
	v0 =	vand.u32 $0x7, v3;
	v3 =	vor.u32 $0x8, v3;
	s26 =	simm.s32 $0x7080;
	s2 =	simm.s32 $0x0;
	[dreg:$0x4] =	wrdreg s31;
	v1 =	vpop (erf)  }
.LBB2_1:
0xe: {  	[dreg:$0x5] =	wrdreg s2;
	s0 =	simm.s32 $0x0  }
.LBB2_2:
0xf: {  	s2 =	sshll.u32 s0, $0x3  }
0x10: {  	s5 =	sadd.s32 s6, s2  }
0x11: {  	s3 =	rddreg [dreg:$0x1];
	s2 =	sshrl.u32 s5, $0x1  }
0x12: {  	s31 =	simm.s32 $0x0;
	s2 =	sadd.s32 s3, s2  }
0x13: {  	[tilespmem:s31], [sflag:$0x2] =	stream.linear.gather [hbm4b:s2+s31], $0x20, $0x38;
	[tilespmem:$0xA080] =	vst v63  }
0x14: {  	_ =	swait.ge [sflag:s11], $0x20  }
0x15: {  	[sflag:s11] =	ssyncset.done $0x0  }
0x16: {  	[sflag:s11] =	ssyncadd.s32 $0xFFFFFFE0  }
0x17: {  	v4 =	vld [tilespmem:$0x0];
	_ =	sdelay $0x4  }
0x18: {  	v5 =	vshll.u32 v4, $0x3  }
0x19: {  	v4 =	vand.u32 $0x7, v4;
	v5 =	vand.u32 $0xFFFFFFC0, v5  }
0x1a: {  	v4 =	vor.u32 v4, v5  }
0x1b: {  	v5 =	vperm.xlane v4, v0;
	_ =	sdelay $0x1  }
0x1c: {  	v5 =	vadd.s32 v2, v5;
	_ =	sdelay $0x3  }
0x1d: {  	s4 =	simm.s32 $0x80  }
0x1e: {  	[tilespmem:s4], [sflag:$0x1] =	stream.indirect_vreg.gather [hbm4b:s1+s31], $0x80, v5, vm0, $0xb8;
	[tilespmem:$0xA080] =	vst v63  }
0x1f: {  	s10 =	simm.s32 $0x880;
	v4 =	vperm.xlane v4, v3  }
0x20: {  	[tilespmem:s10], [sflag:$0x1] =	stream.indirect_vreg.gather [hbm4b:s7+s31], $0x80, v5, vm0, $0xb8;
	[tilespmem:$0xA080] =	vst v63  }
0x21: {  	v4 =	vadd.s32 v2, v4  }
0x22: {  	[tilespmem:s14], [sflag:$0x1] =	stream.indirect_vreg.gather [hbm4b:s8+s31], $0x80, v5, vm0, $0xb8;
	[tilespmem:$0xA080] =	vst v63  }
0x23: {  	_ = 	snop  }
0x24: {  	[tilespmem:s15], [sflag:$0x1] =	stream.indirect_vreg.gather [hbm4b:s9+s31], $0x80, v5, vm0, $0xb8;
	[tilespmem:$0xA080] =	vst v63  }
0x25: {  	_ = 	snop  }
0x26: {  	[tilespmem:s16], [sflag:$0x1] =	stream.indirect_vreg.gather [hbm4b:s1+s31], $0x80, v4, vm0, $0xb8;
	[tilespmem:$0xA080] =	vst v63  }
0x27: {  	_ = 	snop  }
0x28: {  	[tilespmem:s17], [sflag:$0x1] =	stream.indirect_vreg.gather [hbm4b:s7+s31], $0x80, v4, vm0, $0xb8;
	[tilespmem:$0xA080] =	vst v63  }
0x29: {  	_ = 	snop  }
0x2a: {  	[tilespmem:s18], [sflag:$0x1] =	stream.indirect_vreg.gather [hbm4b:s8+s31], $0x80, v4, vm0, $0xb8;
	[tilespmem:$0xA080] =	vst v63  }
0x2b: {  	_ = 	snop  }
0x2c: {  	[tilespmem:s19], [sflag:$0x1] =	stream.indirect_vreg.gather [hbm4b:s9+s31], $0x80, v4, vm0, $0xb8;
	[tilespmem:$0xA080] =	vst v63  }
0x2d: {  	v4 =	vld [tilespmem:$0x10];
	_ =	sdelay $0x4  }
0x2e: {  	v5 =	vshll.u32 v4, $0x3  }
0x2f: {  	v4 =	vand.u32 $0x7, v4;
	v5 =	vand.u32 $0xFFFFFFC0, v5  }
0x30: {  	v4 =	vor.u32 v4, v5  }
0x31: {  	v5 =	vperm.xlane v4, v0;
	_ =	sdelay $0x1  }
0x32: {  	v5 =	vadd.s32 v2, v5;
	_ =	sdelay $0x4  }
0x33: {  	[tilespmem:s20], [sflag:$0x1] =	stream.indirect_vreg.gather [hbm4b:s1+s31], $0x80, v5, vm0, $0xb8;
	[tilespmem:$0xA080] =	vst v63  }
0x34: {  	v4 =	vperm.xlane v4, v3  }
0x35: {  	[tilespmem:s21], [sflag:$0x1] =	stream.indirect_vreg.gather [hbm4b:s7+s31], $0x80, v5, vm0, $0xb8;
	[tilespmem:$0xA080] =	vst v63  }
0x36: {  	v4 =	vadd.s32 v2, v4  }
0x37: {  	[tilespmem:s22], [sflag:$0x1] =	stream.indirect_vreg.gather [hbm4b:s8+s31], $0x80, v5, vm0, $0xb8;
	[tilespmem:$0xA080] =	vst v63  }
0x38: {  	_ = 	snop  }
0x39: {  	[tilespmem:s23], [sflag:$0x1] =	stream.indirect_vreg.gather [hbm4b:s9+s31], $0x80, v5, vm0, $0xb8;
	[tilespmem:$0xA080] =	vst v63  }
0x3a: {  	_ = 	snop  }
0x3b: {  	[tilespmem:s24], [sflag:$0x1] =	stream.indirect_vreg.gather [hbm4b:s1+s31], $0x80, v4, vm0, $0xb8;
	[tilespmem:$0xA080] =	vst v63  }
0x3c: {  	_ = 	snop  }
0x3d: {  	[tilespmem:s25], [sflag:$0x1] =	stream.indirect_vreg.gather [hbm4b:s7+s31], $0x80, v4, vm0, $0xb8;
	[tilespmem:$0xA080] =	vst v63  }
0x3e: {  	_ = 	snop  }
0x3f: {  	[tilespmem:s26], [sflag:$0x1] =	stream.indirect_vreg.gather [hbm4b:s8+s31], $0x80, v4, vm0, $0xb8;
	[tilespmem:$0xA080] =	vst v63  }
0x40: {  	_ = 	snop  }
0x41: {  	[tilespmem:s28], [sflag:$0x1] =	stream.indirect_vreg.gather [hbm4b:s9+s31], $0x80, v4, vm0, $0xb8;
	[tilespmem:$0xA080] =	vst v63  }
0x42: {  	_ =	swait.ge [sflag:s29], $0x8000  }
0x43: {  	s12 =	sand.u32 $0x70, s31;
	s13 =	sand.u32 $0x1C00, s31;
	[sflag:s29] =	ssyncset.done $0x0  }
0x44: {  	s10 =	sor.u32 s12, s13;
	[sflag:s29] =	ssyncadd.s32 $0xFFFF8000  }
0x45: {  	v5 =	vld [tilespmem:s10+$0x180]  }
0x46: {  	s3 =	simm.s32 $0x10;
	s2 =	sor.u32 s31, s31;
	v4 =	vld [tilespmem:s10+$0x6200]  }
.LBB2_3:
0x47: {  	p0 =	sne.s32 s3, $0x3F0  }
0x48: {  	v6 =	vld [tilespmem:s10+$0x4200];
	s31 =	sadd.s32 $0x80, s31;
	s12 =	smov.u32 s3;
	s3 =	sadd.s32 $0x10, s3  }
0x49: {  	s4 =	sor.u32 s31, s12;
	v7 =	vld [tilespmem:s10+$0x2380]  }
0x4a: {  	v8 =	vld [tilespmem:s10+$0x4180]  }
0x4b: {  	v9 =	vld [tilespmem:s10+$0x4080]  }
0x4c: {  	v10 =	vld [tilespmem:s10+$0x4100]  }
0x4d: {  	v11 =	vld [tilespmem:s10+$0x4400]  }
0x4e: {  	v12 =	vld [tilespmem:s10+$0x6180]  }
0x4f: {  	v13 =	vld [tilespmem:s10+$0x4380]  }
0x50: {  	v14 =	vld [tilespmem:s10+$0x6080]  }
0x51: {  	v15 =	vld [tilespmem:s10+$0x4300]  }
0x52: {  	v16 =	vld [tilespmem:s10+$0x4280]  }
0x53: {  	v17 =	vld [tilespmem:s10+$0x2280]  }
0x54: {  	v18 =	vld [tilespmem:s10+$0x2080]  }
0x55: {  	v19 =	vld [tilespmem:s10+$0x6100]  }
0x56: {  	v20 =	vld [tilespmem:s10+$0x100]  }
0x57: {  	v9 =	vadd.f32 v10, v9;
	v21 =	vld [tilespmem:s10+$0x2100];
	v10 =	vadd.f32 v15, v16  }
0x58: {  	v15 =	vld [tilespmem:s10+$0x2300]  }
0x59: {  	v8 =	vadd.f32 v8, v9;
	v16 =	vld [tilespmem:s10+$0x80];
	v9 =	vadd.f32 v13, v10  }
0x5a: {  	s12 =	sand.u32 $0x70, s12;
	s13 =	sand.u32 $0x1C00, s31;
	v10 =	vld [tilespmem:s10+$0x2180];
	v13 =	vadd.f32 v19, v14  }
0x5b: {  	s12 =	sor.u32 s12, s13;
	v6 =	vadd.f32 v6, v8;
	v14 =	vld [tilespmem:s10+$0x200];
	v8 =	vadd.f32 v11, v9  }
0x5c: {  	v9 =	vld [tilespmem:s10+$0x2200];
	v11 =	vadd.f32 v12, v13  }
0x5d: {  	v12 =	vadd.f32 v21, v18;
	v13 =	vadd.f32 v15, v17;
	v15 =	vld [tilespmem:s10+$0x2400]  }
0x5e: {  	v6 =	vmul.f32 v6, v1;
	v16 =	vadd.f32 v20, v16;
	v4 =	vadd.f32 v4, v11  }
0x5f: {  	v10 =	vadd.f32 v10, v12  }
0x60: {  	v7 =	vadd.f32 v7, v13;
	v5 =	vadd.f32 v5, v16;
	v11 =	vld [tilespmem:s10+$0x6280]  }
0x61: {  	v12 =	vld [tilespmem:s10+$0x280];
	v9 =	vadd.f32 v9, v10  }
0x62: {  	v5 =	vadd.f32 v14, v5;
	v10 =	vld [tilespmem:s10+$0x300];
	v7 =	vadd.f32 v15, v7  }
0x63: {  	v13 =	vld [tilespmem:s10+$0x6300]  }
0x64: {  	v5 =	vmul.f32 v5, v1;
	v14 =	vld [tilespmem:s10+$0x380]  }
0x65: {  	s13 =	sor.u32 $0x380, s2;
	s2 =	smov.u32 s4;
	v4 =	vmul.f32 v4, v1;
	v9 =	vmul.f32 v9, v1;
	v15 =	vld [tilespmem:s10+$0x6380]  }
0x66: {  	[tilespmem:s10+$0x8080] =	vst v5;
	v5 =	vmul.f32 v7, v1;
	v7 =	vld [tilespmem:s10+$0x6400]  }
0x67: {  	v10 =	vadd.f32 v10, v12;
	v12 =	vld [tilespmem:s13+$0x80]  }
0x68: {  	v8 =	vmul.f32 v8, v1;
	[tilespmem:s10+$0x8180] =	vst v9;
	v9 =	vadd.f32 v13, v11  }
0x69: {  	v10 =	vadd.f32 v14, v10;
	[tilespmem:s10+$0x8200] =	vst v5  }
0x6a: {  	[tilespmem:s10+$0x8300] =	vst v8;
	v5 =	vadd.f32 v15, v9  }
0x6b: {  	[tilespmem:s10+$0x8280] =	vst v6  }
0x6c: {  	v6 =	vadd.f32 v12, v10;
	[tilespmem:s10+$0x8380] =	vst v4;
	v4 =	vadd.f32 v7, v5;
	_ =	sdelay $0x1  }
0x6d: {  	v5 =	vmul.f32 v6, v1;
	v4 =	vmul.f32 v4, v1  }
.Ltmp0:
0x6e: {  	(pc) =	sbr.rel @p0 .LBB2_3-.Ltmp0, $4  }
0x6f: {  	[tilespmem:s10+$0x8100] =	vst v5;
	s10 =	smov.u32 s12  }
0x70: {  	[tilespmem:s13+$0x8080] =	vst v4  }
0x71: {  	v5 =	vld [tilespmem:s10+$0x180]  }
0x72: {  	v4 =	vld [tilespmem:s10+$0x6200]  }
0x73: {  	v6 =	vld [tilespmem:s10+$0x4200]  }
0x74: {  	v7 =	vld [tilespmem:s10+$0x2380]  }
0x75: {  	v8 =	vld [tilespmem:s10+$0x4180]  }
0x76: {  	v9 =	vld [tilespmem:s10+$0x4080]  }
0x77: {  	v10 =	vld [tilespmem:s10+$0x4100]  }
0x78: {  	v11 =	vld [tilespmem:s10+$0x4400]  }
0x79: {  	v13 =	vld [tilespmem:s10+$0x4380]  }
0x7a: {  	v14 =	vld [tilespmem:s10+$0x6080]  }
0x7b: {  	v15 =	vld [tilespmem:s10+$0x4300]  }
0x7c: {  	v16 =	vld [tilespmem:s10+$0x4280]  }
0x7d: {  	v17 =	vld [tilespmem:s10+$0x2280]  }
0x7e: {  	v18 =	vld [tilespmem:s10+$0x2080]  }
0x7f: {  	v19 =	vld [tilespmem:s10+$0x6100]  }
0x80: {  	v20 =	vld [tilespmem:s10+$0x100]  }
0x81: {  	v21 =	vld [tilespmem:s10+$0x80]  }
0x82: {  	v22 =	vld [tilespmem:s10+$0x2100]  }
0x83: {  	v23 =	vld [tilespmem:s10+$0x2300]  }
0x84: {  	v24 =	vld [tilespmem:s10+$0x2180]  }
0x85: {  	v25 =	vld [tilespmem:s10+$0x200]  }
0x86: {  	v48 =	vld [tilespmem:s10+$0x6280];
	v20 =	vadd.f32 v20, v21  }
0x87: {  	v27 =	vld [tilespmem:s10+$0x280]  }
0x88: {  	v49 =	vld [tilespmem:s10+$0x300];
	v5 =	vadd.f32 v5, v20  }
0x89: {  	v51 =	vld [tilespmem:s10+$0x6300]  }
0x8a: {  	v26 =	vld [tilespmem:s10+$0x2200];
	v9 =	vadd.f32 v10, v9;
	v5 =	vadd.f32 v25, v5  }
0x8b: {  	v47 =	vld [tilespmem:s10+$0x2400];
	v15 =	vadd.f32 v15, v16;
	v50 =	vadd.f32 v22, v18  }
0x8c: {  	v12 =	vld [tilespmem:s10+$0x6180];
	v52 =	vadd.f32 v23, v17;
	v14 =	vadd.f32 v19, v14;
	v5 =	vmul.f32 v5, v1  }
0x8d: {  	v53 =	vld [tilespmem:s10+$0x380];
	v10 =	vadd.f32 v49, v27;
	v54 =	vadd.f32 v24, v50  }
0x8e: {  	v55 =	vld [tilespmem:s10+$0x6380];
	s2 =	sor.u32 $0x380, s2;
	v59 =	vadd.f32 v51, v48;
	v7 =	vadd.f32 v7, v52;
	[tilespmem:s10+$0x8080] =	vst v5  }
0x8f: {  	v13 =	vadd.f32 v13, v15;
	v56 =	vadd.f32 v26, v54;
	v57 =	vld [tilespmem:s2+$0x80]  }
0x90: {  	v58 =	vld [tilespmem:s10+$0x6400];
	v8 =	vadd.f32 v8, v9;
	v7 =	vadd.f32 v47, v7  }
0x91: {  	v12 =	vadd.f32 v12, v14;
	v9 =	vmul.f32 v56, v1;
	v5 =	vadd.f32 v11, v13  }
0x92: {  	v60 =	vadd.f32 v53, v10;
	v6 =	vadd.f32 v6, v8;
	v7 =	vmul.f32 v7, v1  }
0x93: {  	v61 =	vadd.f32 v55, v59;
	v4 =	vadd.f32 v4, v12;
	[tilespmem:s10+$0x8180] =	vst v9;
	v5 =	vmul.f32 v5, v1  }
0x94: {  	v6 =	vmul.f32 v6, v1;
	[tilespmem:s10+$0x8200] =	vst v7;
	v62 =	vadd.f32 v57, v60  }
0x95: {  	v4 =	vmul.f32 v4, v1;
	[tilespmem:s10+$0x8300] =	vst v5;
	v5 =	vadd.f32 v58, v61  }
0x96: {  	[tilespmem:s10+$0x8280] =	vst v6;
	v63 =	vmul.f32 v62, v1  }
0x97: {  	s0 =	sadd.s32 $0x1, s0;
	[tilespmem:s10+$0x8380] =	vst v4;
	v4 =	vmul.f32 v5, v1  }
0x98: {  	s3 =	sshll.u32 s5, $0x7;
	s13 =	rddreg [dreg:$0x2];
	p0 =	sne.s32 s0, $0x4;
	[tilespmem:s10+$0x8100] =	vst v63  }
.Ltmp1:
0x99: {  	s31 =	simm.s32 $0x0;
	[tilespmem:s2+$0x8080] =	vst v4;
	s2 =	sadd.s32 s13, s3;
	(pc) =	sbr.rel @p0 .LBB2_2-.Ltmp1, $4  }
0x9a: {  	[hbm4b:s2+s31] =	stream.linear.scatter [tilespmem:s30], [sflag:$0x2], $0x2000, $0x38;
	[tilespmem:$0xA080] =	vst v63  }
0x9b: {  	_ =	swait.ge [sflag:s11], $0x2000  }
0x9c: {  	[sflag:s11] =	ssyncset.done $0x0  }
0x9d: {  	[sflag:s11] =	ssyncadd.s32 $0xFFFFE000  }
0x9e: {  	s2 =	rddreg [dreg:$0x5]  }
0x9f: {  	s0 =	rddreg [dreg:$0x4];
	s2 =	sadd.s32 $0x1, s2  }
0xa0: {  	p0 =	sne.s32 s2, s0  }
.Ltmp2:
0xa1: {  	_ = 	snop;
	(pc) =	sbr.rel @p0 .LBB2_1-.Ltmp2, $1  }
0xa2: {  	_ =	sdelay $0x3  }
0xa3: {  	_ =	sfence.sel $0x180000  }
0xa4: {  	[bflag:$0x0] =	sbarrier.arrive $0xFFFF  }
0xa5: {  	_ =	strace $0x90000047  }
0xa6: {  	s0 =	stileid.u32;
	[bflag:$0x2] =	sbarrier.arrive $0xFFFF  }
0xa7: {  	p0 =	sne.s32 s0, $0x0;
	s0 =	rddreg [dreg:$0x3]  }
0xa8: {  	s0 =	sadd.s32 @!p0 $0x100000, s0  }
0xa9: {  	[sflag:s0] =	ssyncadd.tile.s32 @!p0 $0x1;
	_ =	shalt  }
.Lfunc_end2:
_tile_overlayer_lowered:
.L_overlay_start_2:
0xaa: {  	(tag) =	ssettag $0x2  }
0xab: {  	s0 =	rddreg [dreg:$0x0];
	s2 =	stileid.u32  }
0xac: {  	s1 =	rddreg [dreg:$0x1];
	p0 =	sne.s32 s2, $0x0  }
0xad: {  	s3 =	rddreg [dreg:$0x2];
	[bflag:$0x3] =	sbarrier.arrive $0xFFFF;
	s2 =	simm.s32 @!p0 $0x1C02  }
0xae: {  	[timem:s3], [sflag:s2] =	dma.local @!p0 [hbm:s0], s1  }
0xaf: {  	s0 =	simm.s32 @!p0 $0x2  }
0xb0: {  	_ =	swait.ge @!p0 [sflag:s0], s1  }
0xb1: {  	s1 =	ssub.s32 @!p0 $0x0, s1;
	[sflag:s0] =	ssyncset.done @!p0 $0x0  }
0xb2: {  	[sflag:s0] =	ssyncadd.s32 @!p0 s1  }
0xb3: {  	[bflag:$0x3] =	sbarrier.arrive $0xFFFF  }
0xb4: {  	_ =	shalt  }

</sc_bundles>
